<compile_context>
chip_gen: v7x
topology: tpu7x:2x2x1
jax: 0.10.2.dev20260603
libtpu: 0.0.44.dev20260713+nightly
codegen_flags: <defaults>
</compile_context>

<pallas_src>
import dataclasses

import jax
import jax.numpy as jnp
from jax import lax
from jax.experimental import pallas as pl
from jax.experimental.pallas import tpu as pltpu
from jax.experimental.pallas import tpu_sc as plsc

K_TOP = 2
BLK = 256
NBLK = 24
NC, NS = 2, 16
NW = NC * NS


def _router_meta_kernel(x_ref, gw_ref, p0_ref, p1_ref,
                        w0_ref, w1_ref, be_ref):
    x = x_ref[...]
    T = x.shape[0]
    logits = jnp.dot(x, gw_ref[...].T,
                     preferred_element_type=jnp.float32)
    m = jnp.max(logits, axis=-1, keepdims=True)
    ex = jnp.exp(logits - m)
    p = ex / jnp.sum(ex, axis=-1, keepdims=True)
    num_experts = p.shape[-1]
    idx = lax.broadcasted_iota(jnp.int32, p.shape, 1)
    m1 = jnp.max(p, axis=-1, keepdims=True)
    i1 = jnp.min(jnp.where(p == m1, idx, num_experts), axis=-1, keepdims=True)
    is1 = idx == i1
    p2 = jnp.where(is1, -jnp.inf, p)
    m2 = jnp.max(p2, axis=-1, keepdims=True)
    i2 = jnp.min(jnp.where(p2 == m2, idx, num_experts), axis=-1, keepdims=True)
    is2 = idx == i2
    sel = is1 | is2
    wsum = m1 + m2
    w0_ref[...] = m1 / wsum
    w1_ref[...] = m2 / wsum

    selb = sel.astype(jnp.bfloat16)
    r_io = lax.broadcasted_iota(jnp.int32, (T, T), 0)
    c_io = lax.broadcasted_iota(jnp.int32, (T, T), 1)
    ltri = (c_io < r_io).astype(jnp.bfloat16)
    rank = jnp.dot(ltri, selb, preferred_element_type=jnp.float32)

    cnt = jnp.sum(sel.astype(jnp.float32), axis=0, keepdims=True)
    nblk = jnp.floor((cnt + (BLK - 1)) * (1.0 / BLK))
    e_r = lax.broadcasted_iota(jnp.int32, (num_experts, num_experts), 0)
    e_c = lax.broadcasted_iota(jnp.int32, (num_experts, num_experts), 1)
    excl = (e_r < e_c).astype(jnp.float32)
    blk_off = jnp.dot(nblk, excl,
                      preferred_element_type=jnp.float32)
    pad_off = blk_off * BLK
    pos = pad_off + rank
    p0_ref[...] = jnp.sum(jnp.where(is1, pos, 0.0), axis=1,
                          keepdims=True).astype(jnp.int32)
    p1_ref[...] = jnp.sum(jnp.where(is2, pos, 0.0), axis=1,
                          keepdims=True).astype(jnp.int32)

    blk_cum = blk_off + nblk
    lane8 = lax.broadcasted_iota(jnp.int32, (1, num_experts), 1)
    s_io = lax.broadcasted_iota(jnp.int32, (1, NBLK), 1).astype(jnp.float32)
    be = jnp.zeros((1, NBLK), jnp.int32)
    for e in range(num_experts):
        ce = jnp.sum(jnp.where(lane8 == e, blk_cum, 0.0),
                     axis=1, keepdims=True)
        be = be + (s_io >= ce).astype(jnp.int32)
    be_ref[...] = jnp.minimum(be, num_experts - 1)


def _cast_kernel(wg_ref, wu_ref, wd_ref, og_ref, ou_ref, od_ref):
    og_ref[...] = wg_ref[...].astype(jnp.bfloat16)
    ou_ref[...] = wu_ref[...].astype(jnp.bfloat16)
    od_ref[...] = wd_ref[...].astype(jnp.bfloat16)


def _add_kernel(a_ref, b_ref, o_ref):
    o_ref[...] = a_ref[...] + b_ref[...]


def _gmm_kernel(be_ref, xs_ref, ws_ref, wg_ref, wu_ref, wd_ref, o_ref):
    xs = xs_ref[...].astype(jnp.bfloat16)
    g = jnp.dot(xs, wg_ref[0], preferred_element_type=jnp.float32)
    u = jnp.dot(xs, wu_ref[0], preferred_element_type=jnp.float32)
    h = (g * lax.logistic(g)) * u * ws_ref[...]
    o_ref[...] = jnp.dot(h.astype(jnp.bfloat16), wd_ref[0],
                         preferred_element_type=jnp.float32)


def kernel(hidden_states, gate_w, w_gate, w_up, w_down,
           mlp_buffer=None, gathered_experts_out_buf=None):
    T, D = hidden_states.shape[0], hidden_states.shape[-1]
    E = gate_w.shape[0]
    F = w_gate.shape[-1]
    S_PAD = NBLK * BLK
    x = hidden_states.reshape(T, D)

    p0, p1, w0, w1, be = pl.pallas_call(
        _router_meta_kernel,
        in_specs=[
            pl.BlockSpec((T, D), lambda: (0, 0)),
            pl.BlockSpec((E, D), lambda: (0, 0)),
        ],
        out_specs=[
            pl.BlockSpec((T, 1), lambda: (0, 0)),
            pl.BlockSpec((T, 1), lambda: (0, 0)),
            pl.BlockSpec((T, 1), lambda: (0, 0)),
            pl.BlockSpec((T, 1), lambda: (0, 0)),
            pl.BlockSpec((1, NBLK), lambda: (0, 0)),
        ],
        out_shape=[
            jax.ShapeDtypeStruct((T, 1), jnp.int32),
            jax.ShapeDtypeStruct((T, 1), jnp.int32),
            jax.ShapeDtypeStruct((T, 1), jnp.float32),
            jax.ShapeDtypeStruct((T, 1), jnp.float32),
            jax.ShapeDtypeStruct((1, NBLK), jnp.int32),
        ],
    )(x, gate_w)

    wgb, wub, wdb = pl.pallas_call(
        _cast_kernel,
        grid=(E,),
        in_specs=[
            pl.BlockSpec((1, D, F), lambda e: (e, 0, 0)),
            pl.BlockSpec((1, D, F), lambda e: (e, 0, 0)),
            pl.BlockSpec((1, F, D), lambda e: (e, 0, 0)),
        ],
        out_specs=[
            pl.BlockSpec((1, D, F), lambda e: (e, 0, 0)),
            pl.BlockSpec((1, D, F), lambda e: (e, 0, 0)),
            pl.BlockSpec((1, F, D), lambda e: (e, 0, 0)),
        ],
        out_shape=[
            jax.ShapeDtypeStruct((E, D, F), jnp.bfloat16),
            jax.ShapeDtypeStruct((E, D, F), jnp.bfloat16),
            jax.ShapeDtypeStruct((E, F, D), jnp.bfloat16),
        ],
    )(w_gate, w_up, w_down)

    posk = jnp.concatenate([p0.reshape(T), p1.reshape(T)])
    tval = jnp.concatenate([jnp.arange(T, dtype=jnp.int32)] * 2)
    wk = jnp.concatenate([w0.reshape(T), w1.reshape(T)])
    n_per_w = S_PAD // NW
    n_chunk = n_per_w // 3

    mesh = plsc.VectorSubcoreMesh(core_axis_name="c", subcore_axis_name="s")
    sc_params = pltpu.CompilerParams()
    if "needs_layout_passes" in pltpu.CompilerParams.__dataclass_fields__:
        sc_params = dataclasses.replace(sc_params, needs_layout_passes=False)

    zeros_i = jnp.zeros((S_PAD,), jnp.int32)
    zeros_f = jnp.zeros((S_PAD,), jnp.float32)
    n_sub = (2 * T) // NS

    def _dispatch_body(x_hbm, posk_hbm, tval_hbm, wk_hbm, zi_hbm, zf_hbm,
                       xs_hbm, ws_hbm, pos_v, tok_v, wv, tloc_v, rows_v,
                       tsort_sh, wsort_sh, sem):
        cid = lax.axis_index("c")
        sid = lax.axis_index("s")
        wid = sid * NC + cid

        @pl.when(sid == 0)
        def _():
            pltpu.sync_copy(zi_hbm, tsort_sh)
            pltpu.sync_copy(zf_hbm, wsort_sh)

        sbase = sid * n_sub
        pltpu.sync_copy(posk_hbm.at[pl.ds(sbase, n_sub)], pos_v)
        pltpu.sync_copy(tval_hbm.at[pl.ds(sbase, n_sub)], tok_v)
        pltpu.sync_copy(wk_hbm.at[pl.ds(sbase, n_sub)], wv)
        plsc.subcore_barrier()
        for j in range(2):
            sl = pl.ds(j * (n_sub // 2), n_sub // 2)
            pltpu.sync_copy(tok_v.at[sl], tsort_sh.at[pos_v.at[sl]], add=True)
            pltpu.sync_copy(wv.at[sl], wsort_sh.at[pos_v.at[sl]], add=True)
        plsc.subcore_barrier()

        base = wid * n_per_w
        pltpu.sync_copy(tsort_sh.at[pl.ds(base, n_per_w)], tloc_v)
        for j in range(3):
            pltpu.async_copy(
                x_hbm.at[tloc_v.at[pl.ds(j * n_chunk, n_chunk)]],
                rows_v, sem).wait()
            pltpu.sync_copy(rows_v, xs_hbm.at[pl.ds(base + j * n_chunk,
                                                    n_chunk)])

        @pl.when(wid == 0)
        def _():
            pltpu.sync_copy(wsort_sh, ws_hbm)

    dispatch = pl.kernel(
        _dispatch_body,
        out_type=[
            jax.ShapeDtypeStruct((S_PAD, D), jnp.float32),
            jax.ShapeDtypeStruct((S_PAD,), jnp.float32),
        ],
        mesh=mesh,
        compiler_params=sc_params,
        scratch_types=[
            pltpu.VMEM((n_sub,), jnp.int32),
            pltpu.VMEM((n_sub,), jnp.int32),
            pltpu.VMEM((n_sub,), jnp.float32),
            pltpu.VMEM((n_per_w,), jnp.int32),
            pltpu.VMEM((n_chunk, D), jnp.float32),
            pltpu.VMEM_SHARED((S_PAD,), jnp.int32),
            pltpu.VMEM_SHARED((S_PAD,), jnp.float32),
            pltpu.SemaphoreType.DMA,
        ],
    )
    xs2, wsort = dispatch(x, posk, tval, wk, zeros_i, zeros_f)
    ws2 = wsort.reshape(S_PAD, 1)

    outs = pl.pallas_call(
        _gmm_kernel,
        grid_spec=pltpu.PrefetchScalarGridSpec(
            num_scalar_prefetch=1,
            grid=(NBLK,),
            in_specs=[
                pl.BlockSpec((BLK, D), lambda s, be: (s, 0)),
                pl.BlockSpec((BLK, 1), lambda s, be: (s, 0)),
                pl.BlockSpec((1, D, F), lambda s, be: (be[s], 0, 0)),
                pl.BlockSpec((1, D, F), lambda s, be: (be[s], 0, 0)),
                pl.BlockSpec((1, F, D), lambda s, be: (be[s], 0, 0)),
            ],
            out_specs=pl.BlockSpec((BLK, D), lambda s, be: (s, 0)),
        ),
        out_shape=jax.ShapeDtypeStruct((S_PAD, D), jnp.float32),
    )(be.reshape(NBLK), xs2, ws2, wgb, wub, wdb)

    t_per_w = T // NW
    t_half = t_per_w // 2

    def _combine_body(outs_hbm, posk_hbm, ab_hbm, idx_v, a_v, b_v, sem):
        wid = lax.axis_index("s") * NC + lax.axis_index("c")
        tbase = wid * t_per_w
        pltpu.sync_copy(posk_hbm.at[pl.ds(tbase, t_per_w)],
                        idx_v.at[pl.ds(0, t_per_w)])
        pltpu.sync_copy(posk_hbm.at[pl.ds(T + tbase, t_per_w)],
                        idx_v.at[pl.ds(t_per_w, t_per_w)])
        for c in range(2):
            pltpu.async_copy(
                outs_hbm.at[idx_v.at[pl.ds(c * t_half, t_half)]],
                a_v, sem).wait()
            pltpu.async_copy(
                outs_hbm.at[idx_v.at[pl.ds(t_per_w + c * t_half, t_half)]],
                b_v, sem).wait()
            pltpu.sync_copy(a_v, ab_hbm.at[pl.ds(tbase + c * t_half, t_half)])
            pltpu.sync_copy(b_v,
                            ab_hbm.at[pl.ds(T + tbase + c * t_half, t_half)])

    combine = pl.kernel(
        _combine_body,
        out_type=jax.ShapeDtypeStruct((2 * T, D), jnp.float32),
        mesh=mesh,
        compiler_params=sc_params,
        scratch_types=[
            pltpu.VMEM((2 * t_per_w,), jnp.int32),
            pltpu.VMEM((t_half, D), jnp.float32),
            pltpu.VMEM((t_half, D), jnp.float32),
            pltpu.SemaphoreType.DMA,
        ],
    )
    ab = combine(outs, posk)

    n_tb = 8
    tb = T // n_tb
    y = pl.pallas_call(
        _add_kernel,
        grid=(n_tb,),
        in_specs=[
            pl.BlockSpec((tb, D), lambda i: (i, 0)),
            pl.BlockSpec((tb, D), lambda i: (T // tb + i, 0)),
        ],
        out_specs=pl.BlockSpec((tb, D), lambda i: (i, 0)),
        out_shape=jax.ShapeDtypeStruct((T, D), jnp.float32),
    )(ab, ab)
    return y.reshape(hidden_states.shape)

# --- scband reference (transcript-rebuilt; emitter-appended) ---
"""Pipeline reference for scband-qwen3-moe-sparse-moe-block-20383914787231 (READ-ONLY COPY).

The authoritative reference and input builder live on the scoring server;
editing this copy changes nothing except your own understanding.
"""

import jax, jax.numpy as jnp
import numpy as np

E = 8        # num_experts
K = 2        # num_experts_per_tok (top_k)
D = 1024     # hidden_size
F = 512      # moe_intermediate_size
T = 2048     # tokens (batch=1 * seq_len=2048)


def setup_inputs(seed: int = 0) -> dict:
    key = jax.random.key(seed)
    ks = jax.random.split(key, 5)
    hidden_states = jax.random.normal(ks[0], (T, D), dtype=jnp.float32)
    # gate (router) linear weight: [E, D], applied as x @ W.T
    gate_w = jax.random.normal(ks[1], (E, D), dtype=jnp.float32) * 0.02
    # fused SwiGLU expert weights
    w_gate = jax.random.normal(ks[2], (E, D, F), dtype=jnp.float32) * 0.02
    w_up = jax.random.normal(ks[3], (E, D, F), dtype=jnp.float32) * 0.02
    w_down = jax.random.normal(ks[4], (E, F, D), dtype=jnp.float32) * 0.02
    # output buffers from the torch signature (write-only in original; carried for fidelity)
    mlp_buffer = jnp.zeros((T, D), dtype=jnp.float32)
    gathered_experts_out_buf = jnp.zeros((T, K, D), dtype=jnp.float32)
    return {
        "hidden_states": hidden_states,
        "gate_w": gate_w,
        "w_gate": w_gate,
        "w_up": w_up,
        "w_down": w_down,
        "mlp_buffer": mlp_buffer,
        "gathered_experts_out_buf": gathered_experts_out_buf,
    }


def _moe_forward(hidden_states, gate_w, w_gate, w_up, w_down):
    x = hidden_states.reshape(-1, D)
    # router: logits = x @ gate.weight.T ; softmax in default_dtype (float32)
    router_logits = x @ gate_w.T                                   # [T, E]
    probs = jax.nn.softmax(router_logits.astype(jnp.float32), axis=-1)
    routing_weights, selected_experts = jax.lax.top_k(probs, K)    # [T, K], [T, K]
    # per-expert SwiGLU MLP computed densely, then gathered by router selection
    outs = []
    for e in range(E):
        g = jax.nn.silu(x @ w_gate[e]) * (x @ w_up[e])             # [T, F]
        outs.append(g @ w_down[e])                                 # [T, D]
    all_out = jnp.stack(outs, axis=1)                              # [T, E, D]
    gathered = jnp.take_along_axis(all_out, selected_experts[:, :, None], axis=1)  # [T, K, D]
    # norm_topk_prob=True: normalize top-k probs before combine (as in torch code)
    routing_weights = routing_weights / jnp.sum(routing_weights, axis=-1, keepdims=True)
    # bmm(gathered.transpose(-2,-1), rw.unsqueeze(2)) -> weighted sum over top-k
    y = jnp.sum(gathered * routing_weights[:, :, None], axis=1)    # [T, D]
    return y.reshape(hidden_states.shape)


def reference(hidden_states, gate_w, w_gate, w_up, w_down, mlp_buffer=None, gathered_experts_out_buf=None):
    return _moe_forward(hidden_states, gate_w, w_gate, w_up, w_down)

if __name__ == "__main__":
    import jax
    _d = setup_inputs()
    print(jax.jit(kernel)(*tuple(_d.values())))

</pallas_src>

<mosaic_0001>
#map = affine_map<(d0, d1) -> (0, 0)>
#map1 = affine_map<(d0, d1) -> (0)>
module attributes {stable_mosaic.version = 14 : i64} {
  func.func @_dispatch_body(%arg0: i32, %arg1: i32, %arg2: memref<2048x1024xf32, #tpu.memory_space<hbm>>, %arg3: memref<4096xi32, #tpu.memory_space<hbm>>, %arg4: memref<4096xi32, #tpu.memory_space<hbm>>, %arg5: memref<4096xf32, #tpu.memory_space<hbm>>, %arg6: memref<6144xi32, #tpu.memory_space<hbm>>, %arg7: memref<6144xf32, #tpu.memory_space<hbm>>, %arg8: memref<6144x1024xf32, #tpu.memory_space<hbm>>, %arg9: memref<6144xf32, #tpu.memory_space<hbm>>, %arg10: memref<256xi32, #tpu.memory_space<vmem>>, %arg11: memref<256xi32, #tpu.memory_space<vmem>>, %arg12: memref<256xf32, #tpu.memory_space<vmem>>, %arg13: memref<192xi32, #tpu.memory_space<vmem>>, %arg14: memref<64x1024xf32, #tpu.memory_space<vmem>>, %arg15: memref<6144xi32, #tpu.memory_space<vmem_shared>>, %arg16: memref<6144xf32, #tpu.memory_space<vmem_shared>>, %arg17: memref<!tpu.dma_semaphore, #tpu.memory_space<semaphore_mem>>) attributes {dimension_semantics = [#tpu.dimension_semantics<core_parallel>, #tpu.dimension_semantics<subcore_parallel>], iteration_bounds = array<i64: 2, 16>, scalar_prefetch = 0 : i64, scratch_operands = 8 : i64, tpu.core_type = #tpu.core_type<sc_vector_subcore>, window_params = [{transform_indices = #map}, {transform_indices = #map1}, {transform_indices = #map1}, {transform_indices = #map1}, {transform_indices = #map1}, {transform_indices = #map1}, {transform_indices = #map}, {transform_indices = #map1}]} {
    %mul3A = arith.constant 2 : i32
    %mul3A_0 = arith.muli %arg1, %mul3A : i32
    %add3A = arith.addi %mul3A_0, %arg0 : i32
    %eq3A = arith.constant 0 : i32
    %eq3A_1 = arith.cmpi eq, %arg1, %eq3A : i32
    %convert_element_type3A = arith.extui %eq3A_1 : i1 to i32
    %cond3A = arith.constant 0 : i32
    %cond3A_2 = arith.cmpi ne, %convert_element_type3A, %cond3A : i32
    scf.if %cond3A_2 {
      "tpu.region"() ({
        %run_scoped3A = tpu.sem_alloc : memref<!tpu.dma_semaphore, #tpu.memory_space<semaphore_mem>>
        tpu.enqueue_dma source(%arg6 : memref<6144xi32, #tpu.memory_space<hbm>>) target(%arg15 : memref<6144xi32, #tpu.memory_space<vmem_shared>>) target_semaphore(%run_scoped3A : memref<!tpu.dma_semaphore, #tpu.memory_space<semaphore_mem>>)
        tpu.wait_dma2 semaphore(%run_scoped3A : memref<!tpu.dma_semaphore, #tpu.memory_space<semaphore_mem>>) src(%arg6 : memref<6144xi32, #tpu.memory_space<hbm>>) dst(%arg15 : memref<6144xi32, #tpu.memory_space<vmem_shared>>)
        tpu.yield
      }) : () -> ()
      "tpu.region"() ({
        %run_scoped3A = tpu.sem_alloc : memref<!tpu.dma_semaphore, #tpu.memory_space<semaphore_mem>>
        tpu.enqueue_dma source(%arg7 : memref<6144xf32, #tpu.memory_space<hbm>>) target(%arg16 : memref<6144xf32, #tpu.memory_space<vmem_shared>>) target_semaphore(%run_scoped3A : memref<!tpu.dma_semaphore, #tpu.memory_space<semaphore_mem>>)
        tpu.wait_dma2 semaphore(%run_scoped3A : memref<!tpu.dma_semaphore, #tpu.memory_space<semaphore_mem>>) src(%arg7 : memref<6144xf32, #tpu.memory_space<hbm>>) dst(%arg16 : memref<6144xf32, #tpu.memory_space<vmem_shared>>)
        tpu.yield
      }) : () -> ()
    } else {
    }
    %mul3A_3 = arith.constant 256 : i32
    %mul3A_4 = arith.muli %arg1, %mul3A_3 : i32
    "tpu.region"() ({
      %run_scoped3A = tpu.sem_alloc : memref<!tpu.dma_semaphore, #tpu.memory_space<semaphore_mem>>
      %dma_start3A_47 = tpu.memref_slice %arg3[%mul3A_4] : memref<4096xi32, #tpu.memory_space<hbm>> -> memref<256xi32, #tpu.memory_space<hbm>>
      %dma_start3A_48 = tpu.memref_slice %arg3[%mul3A_4] : memref<4096xi32, #tpu.memory_space<hbm>> -> memref<256xi32, #tpu.memory_space<hbm>>
      tpu.enqueue_dma source(%dma_start3A_48 : memref<256xi32, #tpu.memory_space<hbm>>) target(%arg10 : memref<256xi32, #tpu.memory_space<vmem>>) target_semaphore(%run_scoped3A : memref<!tpu.dma_semaphore, #tpu.memory_space<semaphore_mem>>)
      %dma_wait3A_49 = tpu.memref_slice %arg3[%mul3A_4] : memref<4096xi32, #tpu.memory_space<hbm>> -> memref<256xi32, #tpu.memory_space<hbm>>
      %dma_wait3A_50 = tpu.memref_slice %arg3[%mul3A_4] : memref<4096xi32, #tpu.memory_space<hbm>> -> memref<256xi32, #tpu.memory_space<hbm>>
      tpu.wait_dma2 semaphore(%run_scoped3A : memref<!tpu.dma_semaphore, #tpu.memory_space<semaphore_mem>>) src(%dma_wait3A_50 : memref<256xi32, #tpu.memory_space<hbm>>) dst(%arg10 : memref<256xi32, #tpu.memory_space<vmem>>)
      tpu.yield
    }) : () -> ()
    "tpu.region"() ({
      %run_scoped3A = tpu.sem_alloc : memref<!tpu.dma_semaphore, #tpu.memory_space<semaphore_mem>>
      %dma_start3A_47 = tpu.memref_slice %arg4[%mul3A_4] : memref<4096xi32, #tpu.memory_space<hbm>> -> memref<256xi32, #tpu.memory_space<hbm>>
      %dma_start3A_48 = tpu.memref_slice %arg4[%mul3A_4] : memref<4096xi32, #tpu.memory_space<hbm>> -> memref<256xi32, #tpu.memory_space<hbm>>
      tpu.enqueue_dma source(%dma_start3A_48 : memref<256xi32, #tpu.memory_space<hbm>>) target(%arg11 : memref<256xi32, #tpu.memory_space<vmem>>) target_semaphore(%run_scoped3A : memref<!tpu.dma_semaphore, #tpu.memory_space<semaphore_mem>>)
      %dma_wait3A_49 = tpu.memref_slice %arg4[%mul3A_4] : memref<4096xi32, #tpu.memory_space<hbm>> -> memref<256xi32, #tpu.memory_space<hbm>>
      %dma_wait3A_50 = tpu.memref_slice %arg4[%mul3A_4] : memref<4096xi32, #tpu.memory_space<hbm>> -> memref<256xi32, #tpu.memory_space<hbm>>
      tpu.wait_dma2 semaphore(%run_scoped3A : memref<!tpu.dma_semaphore, #tpu.memory_space<semaphore_mem>>) src(%dma_wait3A_50 : memref<256xi32, #tpu.memory_space<hbm>>) dst(%arg11 : memref<256xi32, #tpu.memory_space<vmem>>)
      tpu.yield
    }) : () -> ()
    "tpu.region"() ({
      %run_scoped3A = tpu.sem_alloc : memref<!tpu.dma_semaphore, #tpu.memory_space<semaphore_mem>>
      %dma_start3A_47 = tpu.memref_slice %arg5[%mul3A_4] : memref<4096xf32, #tpu.memory_space<hbm>> -> memref<256xf32, #tpu.memory_space<hbm>>
      %dma_start3A_48 = tpu.memref_slice %arg5[%mul3A_4] : memref<4096xf32, #tpu.memory_space<hbm>> -> memref<256xf32, #tpu.memory_space<hbm>>
      tpu.enqueue_dma source(%dma_start3A_48 : memref<256xf32, #tpu.memory_space<hbm>>) target(%arg12 : memref<256xf32, #tpu.memory_space<vmem>>) target_semaphore(%run_scoped3A : memref<!tpu.dma_semaphore, #tpu.memory_space<semaphore_mem>>)
      %dma_wait3A_49 = tpu.memref_slice %arg5[%mul3A_4] : memref<4096xf32, #tpu.memory_space<hbm>> -> memref<256xf32, #tpu.memory_space<hbm>>
      %dma_wait3A_50 = tpu.memref_slice %arg5[%mul3A_4] : memref<4096xf32, #tpu.memory_space<hbm>> -> memref<256xf32, #tpu.memory_space<hbm>>
      tpu.wait_dma2 semaphore(%run_scoped3A : memref<!tpu.dma_semaphore, #tpu.memory_space<semaphore_mem>>) src(%dma_wait3A_50 : memref<256xf32, #tpu.memory_space<hbm>>) dst(%arg12 : memref<256xf32, #tpu.memory_space<vmem>>)
      tpu.yield
    }) : () -> ()
    %barrier3A = arith.constant 0 : index
    tpu.barrier barrier_id(%barrier3A)
    "tpu.region"() ({
      %run_scoped3A = tpu.sem_alloc : memref<!tpu.dma_semaphore, #tpu.memory_space<semaphore_mem>>
      %dma_start3A_47 = arith.constant 0 : i32
      %dma_start3A_48 = tpu.memref_slice %arg11[%dma_start3A_47] : memref<256xi32, #tpu.memory_space<vmem>> -> memref<128xi32, #tpu.memory_space<vmem>>
      %dma_start3A_49 = arith.constant 0 : i32
      %dma_start3A_50 = tpu.memref_slice %arg10[%dma_start3A_49] : memref<256xi32, #tpu.memory_space<vmem>> -> memref<128xi32, #tpu.memory_space<vmem>>
      %dma_start3A_51 = arith.constant 0 : i32
      %dma_start3A_52 = tpu.memref_slice %arg15[%dma_start3A_51] : memref<6144xi32, #tpu.memory_space<vmem_shared>> -> memref<6144xi32, #tpu.memory_space<vmem_shared>>
      tpu.enqueue_indirect_dma source(%dma_start3A_48 : memref<128xi32, #tpu.memory_space<vmem>>) target(%dma_start3A_52 : memref<6144xi32, #tpu.memory_space<vmem_shared>>) offsets(%dma_start3A_50 : memref<128xi32, #tpu.memory_space<vmem>>) semaphore(%run_scoped3A : memref<!tpu.dma_semaphore, #tpu.memory_space<semaphore_mem>>) {add = true}
      %dma_wait3A_53 = arith.constant 0 : i32
      %dma_wait3A_54 = tpu.memref_slice %arg11[%dma_wait3A_53] : memref<256xi32, #tpu.memory_space<vmem>> -> memref<128xi32, #tpu.memory_space<vmem>>
      %dma_wait3A_55 = arith.constant 0 : i32
      %dma_wait3A_56 = tpu.memref_slice %arg10[%dma_wait3A_55] : memref<256xi32, #tpu.memory_space<vmem>> -> memref<128xi32, #tpu.memory_space<vmem>>
      %dma_wait3A_57 = arith.constant 0 : i32
      %dma_wait3A_58 = tpu.memref_slice %arg15[%dma_wait3A_57] : memref<6144xi32, #tpu.memory_space<vmem_shared>> -> memref<6144xi32, #tpu.memory_space<vmem_shared>>
      tpu.wait_indirect_dma semaphore(%run_scoped3A : memref<!tpu.dma_semaphore, #tpu.memory_space<semaphore_mem>>) src(%dma_wait3A_54 : memref<128xi32, #tpu.memory_space<vmem>>) dst(%dma_wait3A_58 : memref<6144xi32, #tpu.memory_space<vmem_shared>>)
      tpu.yield
    }) : () -> ()
    "tpu.region"() ({
      %run_scoped3A = tpu.sem_alloc : memref<!tpu.dma_semaphore, #tpu.memory_space<semaphore_mem>>
      %dma_start3A_47 = arith.constant 0 : i32
      %dma_start3A_48 = tpu.memref_slice %arg12[%dma_start3A_47] : memref<256xf32, #tpu.memory_space<vmem>> -> memref<128xf32, #tpu.memory_space<vmem>>
      %dma_start3A_49 = arith.constant 0 : i32
      %dma_start3A_50 = tpu.memref_slice %arg10[%dma_start3A_49] : memref<256xi32, #tpu.memory_space<vmem>> -> memref<128xi32, #tpu.memory_space<vmem>>
      %dma_start3A_51 = arith.constant 0 : i32
      %dma_start3A_52 = tpu.memref_slice %arg16[%dma_start3A_51] : memref<6144xf32, #tpu.memory_space<vmem_shared>> -> memref<6144xf32, #tpu.memory_space<vmem_shared>>
      tpu.enqueue_indirect_dma source(%dma_start3A_48 : memref<128xf32, #tpu.memory_space<vmem>>) target(%dma_start3A_52 : memref<6144xf32, #tpu.memory_space<vmem_shared>>) offsets(%dma_start3A_50 : memref<128xi32, #tpu.memory_space<vmem>>) semaphore(%run_scoped3A : memref<!tpu.dma_semaphore, #tpu.memory_space<semaphore_mem>>) {add = true}
      %dma_wait3A_53 = arith.constant 0 : i32
      %dma_wait3A_54 = tpu.memref_slice %arg12[%dma_wait3A_53] : memref<256xf32, #tpu.memory_space<vmem>> -> memref<128xf32, #tpu.memory_space<vmem>>
      %dma_wait3A_55 = arith.constant 0 : i32
      %dma_wait3A_56 = tpu.memref_slice %arg10[%dma_wait3A_55] : memref<256xi32, #tpu.memory_space<vmem>> -> memref<128xi32, #tpu.memory_space<vmem>>
      %dma_wait3A_57 = arith.constant 0 : i32
      %dma_wait3A_58 = tpu.memref_slice %arg16[%dma_wait3A_57] : memref<6144xf32, #tpu.memory_space<vmem_shared>> -> memref<6144xf32, #tpu.memory_space<vmem_shared>>
      tpu.wait_indirect_dma semaphore(%run_scoped3A : memref<!tpu.dma_semaphore, #tpu.memory_space<semaphore_mem>>) src(%dma_wait3A_54 : memref<128xf32, #tpu.memory_space<vmem>>) dst(%dma_wait3A_58 : memref<6144xf32, #tpu.memory_space<vmem_shared>>)
      tpu.yield
    }) : () -> ()
    "tpu.region"() ({
      %run_scoped3A = tpu.sem_alloc : memref<!tpu.dma_semaphore, #tpu.memory_space<semaphore_mem>>
      %dma_start3A_47 = arith.constant 128 : i32
      %dma_start3A_48 = tpu.memref_slice %arg11[%dma_start3A_47] : memref<256xi32, #tpu.memory_space<vmem>> -> memref<128xi32, #tpu.memory_space<vmem>>
      %dma_start3A_49 = arith.constant 128 : i32
      %dma_start3A_50 = tpu.memref_slice %arg10[%dma_start3A_49] : memref<256xi32, #tpu.memory_space<vmem>> -> memref<128xi32, #tpu.memory_space<vmem>>
      %dma_start3A_51 = arith.constant 0 : i32
      %dma_start3A_52 = tpu.memref_slice %arg15[%dma_start3A_51] : memref<6144xi32, #tpu.memory_space<vmem_shared>> -> memref<6144xi32, #tpu.memory_space<vmem_shared>>
      tpu.enqueue_indirect_dma source(%dma_start3A_48 : memref<128xi32, #tpu.memory_space<vmem>>) target(%dma_start3A_52 : memref<6144xi32, #tpu.memory_space<vmem_shared>>) offsets(%dma_start3A_50 : memref<128xi32, #tpu.memory_space<vmem>>) semaphore(%run_scoped3A : memref<!tpu.dma_semaphore, #tpu.memory_space<semaphore_mem>>) {add = true}
      %dma_wait3A_53 = arith.constant 128 : i32
      %dma_wait3A_54 = tpu.memref_slice %arg11[%dma_wait3A_53] : memref<256xi32, #tpu.memory_space<vmem>> -> memref<128xi32, #tpu.memory_space<vmem>>
      %dma_wait3A_55 = arith.constant 128 : i32
      %dma_wait3A_56 = tpu.memref_slice %arg10[%dma_wait3A_55] : memref<256xi32, #tpu.memory_space<vmem>> -> memref<128xi32, #tpu.memory_space<vmem>>
      %dma_wait3A_57 = arith.constant 0 : i32
      %dma_wait3A_58 = tpu.memref_slice %arg15[%dma_wait3A_57] : memref<6144xi32, #tpu.memory_space<vmem_shared>> -> memref<6144xi32, #tpu.memory_space<vmem_shared>>
      tpu.wait_indirect_dma semaphore(%run_scoped3A : memref<!tpu.dma_semaphore, #tpu.memory_space<semaphore_mem>>) src(%dma_wait3A_54 : memref<128xi32, #tpu.memory_space<vmem>>) dst(%dma_wait3A_58 : memref<6144xi32, #tpu.memory_space<vmem_shared>>)
      tpu.yield
    }) : () -> ()
    "tpu.region"() ({
      %run_scoped3A = tpu.sem_alloc : memref<!tpu.dma_semaphore, #tpu.memory_space<semaphore_mem>>
      %dma_start3A_47 = arith.constant 128 : i32
      %dma_start3A_48 = tpu.memref_slice %arg12[%dma_start3A_47] : memref<256xf32, #tpu.memory_space<vmem>> -> memref<128xf32, #tpu.memory_space<vmem>>
      %dma_start3A_49 = arith.constant 128 : i32
      %dma_start3A_50 = tpu.memref_slice %arg10[%dma_start3A_49] : memref<256xi32, #tpu.memory_space<vmem>> -> memref<128xi32, #tpu.memory_space<vmem>>
      %dma_start3A_51 = arith.constant 0 : i32
      %dma_start3A_52 = tpu.memref_slice %arg16[%dma_start3A_51] : memref<6144xf32, #tpu.memory_space<vmem_shared>> -> memref<6144xf32, #tpu.memory_space<vmem_shared>>
      tpu.enqueue_indirect_dma source(%dma_start3A_48 : memref<128xf32, #tpu.memory_space<vmem>>) target(%dma_start3A_52 : memref<6144xf32, #tpu.memory_space<vmem_shared>>) offsets(%dma_start3A_50 : memref<128xi32, #tpu.memory_space<vmem>>) semaphore(%run_scoped3A : memref<!tpu.dma_semaphore, #tpu.memory_space<semaphore_mem>>) {add = true}
      %dma_wait3A_53 = arith.constant 128 : i32
      %dma_wait3A_54 = tpu.memref_slice %arg12[%dma_wait3A_53] : memref<256xf32, #tpu.memory_space<vmem>> -> memref<128xf32, #tpu.memory_space<vmem>>
      %dma_wait3A_55 = arith.constant 128 : i32
      %dma_wait3A_56 = tpu.memref_slice %arg10[%dma_wait3A_55] : memref<256xi32, #tpu.memory_space<vmem>> -> memref<128xi32, #tpu.memory_space<vmem>>
      %dma_wait3A_57 = arith.constant 0 : i32
      %dma_wait3A_58 = tpu.memref_slice %arg16[%dma_wait3A_57] : memref<6144xf32, #tpu.memory_space<vmem_shared>> -> memref<6144xf32, #tpu.memory_space<vmem_shared>>
      tpu.wait_indirect_dma semaphore(%run_scoped3A : memref<!tpu.dma_semaphore, #tpu.memory_space<semaphore_mem>>) src(%dma_wait3A_54 : memref<128xf32, #tpu.memory_space<vmem>>) dst(%dma_wait3A_58 : memref<6144xf32, #tpu.memory_space<vmem_shared>>)
      tpu.yield
    }) : () -> ()
    %barrier3A_5 = arith.constant 0 : index
    tpu.barrier barrier_id(%barrier3A_5)
    %mul3A_6 = arith.constant 192 : i32
    %mul3A_7 = arith.muli %add3A, %mul3A_6 : i32
    "tpu.region"() ({
      %run_scoped3A = tpu.sem_alloc : memref<!tpu.dma_semaphore, #tpu.memory_space<semaphore_mem>>
      %dma_start3A_47 = tpu.memref_slice %arg15[%mul3A_7] : memref<6144xi32, #tpu.memory_space<vmem_shared>> -> memref<192xi32, #tpu.memory_space<vmem_shared>>
      %dma_start3A_48 = tpu.memref_slice %arg15[%mul3A_7] : memref<6144xi32, #tpu.memory_space<vmem_shared>> -> memref<192xi32, #tpu.memory_space<vmem_shared>>
      tpu.enqueue_dma source(%dma_start3A_48 : memref<192xi32, #tpu.memory_space<vmem_shared>>) target(%arg13 : memref<192xi32, #tpu.memory_space<vmem>>) target_semaphore(%run_scoped3A : memref<!tpu.dma_semaphore, #tpu.memory_space<semaphore_mem>>)
      %dma_wait3A_49 = tpu.memref_slice %arg15[%mul3A_7] : memref<6144xi32, #tpu.memory_space<vmem_shared>> -> memref<192xi32, #tpu.memory_space<vmem_shared>>
      %dma_wait3A_50 = tpu.memref_slice %arg15[%mul3A_7] : memref<6144xi32, #tpu.memory_space<vmem_shared>> -> memref<192xi32, #tpu.memory_space<vmem_shared>>
      tpu.wait_dma2 semaphore(%run_scoped3A : memref<!tpu.dma_semaphore, #tpu.memory_space<semaphore_mem>>) src(%dma_wait3A_50 : memref<192xi32, #tpu.memory_space<vmem_shared>>) dst(%arg13 : memref<192xi32, #tpu.memory_space<vmem>>)
      tpu.yield
    }) : () -> ()
    %dma_start3A = arith.constant 0 : i32
    %dma_start3A_8 = tpu.memref_slice %arg13[%dma_start3A] : memref<192xi32, #tpu.memory_space<vmem>> -> memref<64xi32, #tpu.memory_space<vmem>>
    %dma_start3A_9 = arith.constant 0 : i32
    %dma_start3A_10 = arith.constant 0 : i32
    %dma_start3A_11 = tpu.memref_slice %arg2[%dma_start3A_9, %dma_start3A_10] : memref<2048x1024xf32, #tpu.memory_space<hbm>> -> memref<2048x1024xf32, #tpu.memory_space<hbm>>
    tpu.enqueue_indirect_dma source(%dma_start3A_11 : memref<2048x1024xf32, #tpu.memory_space<hbm>>) target(%arg14 : memref<64x1024xf32, #tpu.memory_space<vmem>>) offsets(%dma_start3A_8 : memref<64xi32, #tpu.memory_space<vmem>>) semaphore(%arg17 : memref<!tpu.dma_semaphore, #tpu.memory_space<semaphore_mem>>)
    %dma_wait3A = arith.constant 0 : i32
    %dma_wait3A_12 = tpu.memref_slice %arg13[%dma_wait3A] : memref<192xi32, #tpu.memory_space<vmem>> -> memref<64xi32, #tpu.memory_space<vmem>>
    %dma_wait3A_13 = arith.constant 0 : i32
    %dma_wait3A_14 = arith.constant 0 : i32
    %dma_wait3A_15 = tpu.memref_slice %arg2[%dma_wait3A_13, %dma_wait3A_14] : memref<2048x1024xf32, #tpu.memory_space<hbm>> -> memref<2048x1024xf32, #tpu.memory_space<hbm>>
    tpu.wait_indirect_dma semaphore(%arg17 : memref<!tpu.dma_semaphore, #tpu.memory_space<semaphore_mem>>) src(%dma_wait3A_15 : memref<2048x1024xf32, #tpu.memory_space<hbm>>) dst(%arg14 : memref<64x1024xf32, #tpu.memory_space<vmem>>)
    %add3A_16 = arith.constant 0 : i32
    %add3A_17 = arith.addi %mul3A_7, %add3A_16 : i32
    "tpu.region"() ({
      %run_scoped3A = tpu.sem_alloc : memref<!tpu.dma_semaphore, #tpu.memory_space<semaphore_mem>>
      %dma_start3A_47 = arith.constant 0 : i32
      %dma_start3A_48 = tpu.memref_slice %arg8[%add3A_17, %dma_start3A_47] : memref<6144x1024xf32, #tpu.memory_space<hbm>> -> memref<64x1024xf32, #tpu.memory_space<hbm>>
      %dma_start3A_49 = arith.constant 0 : i32
      %dma_start3A_50 = tpu.memref_slice %arg8[%add3A_17, %dma_start3A_49] : memref<6144x1024xf32, #tpu.memory_space<hbm>> -> memref<64x1024xf32, #tpu.memory_space<hbm>>
      tpu.enqueue_dma source(%arg14 : memref<64x1024xf32, #tpu.memory_space<vmem>>) target(%dma_start3A_50 : memref<64x1024xf32, #tpu.memory_space<hbm>>) target_semaphore(%run_scoped3A : memref<!tpu.dma_semaphore, #tpu.memory_space<semaphore_mem>>)
      %dma_wait3A_51 = arith.constant 0 : i32
      %dma_wait3A_52 = tpu.memref_slice %arg8[%add3A_17, %dma_wait3A_51] : memref<6144x1024xf32, #tpu.memory_space<hbm>> -> memref<64x1024xf32, #tpu.memory_space<hbm>>
      %dma_wait3A_53 = arith.constant 0 : i32
      %dma_wait3A_54 = tpu.memref_slice %arg8[%add3A_17, %dma_wait3A_53] : memref<6144x1024xf32, #tpu.memory_space<hbm>> -> memref<64x1024xf32, #tpu.memory_space<hbm>>
      tpu.wait_dma2 semaphore(%run_scoped3A : memref<!tpu.dma_semaphore, #tpu.memory_space<semaphore_mem>>) src(%arg14 : memref<64x1024xf32, #tpu.memory_space<vmem>>) dst(%dma_wait3A_54 : memref<64x1024xf32, #tpu.memory_space<hbm>>)
      tpu.yield
    }) : () -> ()
    %dma_start3A_18 = arith.constant 64 : i32
    %dma_start3A_19 = tpu.memref_slice %arg13[%dma_start3A_18] : memref<192xi32, #tpu.memory_space<vmem>> -> memref<64xi32, #tpu.memory_space<vmem>>
    %dma_start3A_20 = arith.constant 0 : i32
    %dma_start3A_21 = arith.constant 0 : i32
    %dma_start3A_22 = tpu.memref_slice %arg2[%dma_start3A_20, %dma_start3A_21] : memref<2048x1024xf32, #tpu.memory_space<hbm>> -> memref<2048x1024xf32, #tpu.memory_space<hbm>>
    tpu.enqueue_indirect_dma source(%dma_start3A_22 : memref<2048x1024xf32, #tpu.memory_space<hbm>>) target(%arg14 : memref<64x1024xf32, #tpu.memory_space<vmem>>) offsets(%dma_start3A_19 : memref<64xi32, #tpu.memory_space<vmem>>) semaphore(%arg17 : memref<!tpu.dma_semaphore, #tpu.memory_space<semaphore_mem>>)
    %dma_wait3A_23 = arith.constant 64 : i32
    %dma_wait3A_24 = tpu.memref_slice %arg13[%dma_wait3A_23] : memref<192xi32, #tpu.memory_space<vmem>> -> memref<64xi32, #tpu.memory_space<vmem>>
    %dma_wait3A_25 = arith.constant 0 : i32
    %dma_wait3A_26 = arith.constant 0 : i32
    %dma_wait3A_27 = tpu.memref_slice %arg2[%dma_wait3A_25, %dma_wait3A_26] : memref<2048x1024xf32, #tpu.memory_space<hbm>> -> memref<2048x1024xf32, #tpu.memory_space<hbm>>
    tpu.wait_indirect_dma semaphore(%arg17 : memref<!tpu.dma_semaphore, #tpu.memory_space<semaphore_mem>>) src(%dma_wait3A_27 : memref<2048x1024xf32, #tpu.memory_space<hbm>>) dst(%arg14 : memref<64x1024xf32, #tpu.memory_space<vmem>>)
    %add3A_28 = arith.constant 64 : i32
    %add3A_29 = arith.addi %mul3A_7, %add3A_28 : i32
    "tpu.region"() ({
      %run_scoped3A = tpu.sem_alloc : memref<!tpu.dma_semaphore, #tpu.memory_space<semaphore_mem>>
      %dma_start3A_47 = arith.constant 0 : i32
      %dma_start3A_48 = tpu.memref_slice %arg8[%add3A_29, %dma_start3A_47] : memref<6144x1024xf32, #tpu.memory_space<hbm>> -> memref<64x1024xf32, #tpu.memory_space<hbm>>
      %dma_start3A_49 = arith.constant 0 : i32
      %dma_start3A_50 = tpu.memref_slice %arg8[%add3A_29, %dma_start3A_49] : memref<6144x1024xf32, #tpu.memory_space<hbm>> -> memref<64x1024xf32, #tpu.memory_space<hbm>>
      tpu.enqueue_dma source(%arg14 : memref<64x1024xf32, #tpu.memory_space<vmem>>) target(%dma_start3A_50 : memref<64x1024xf32, #tpu.memory_space<hbm>>) target_semaphore(%run_scoped3A : memref<!tpu.dma_semaphore, #tpu.memory_space<semaphore_mem>>)
      %dma_wait3A_51 = arith.constant 0 : i32
      %dma_wait3A_52 = tpu.memref_slice %arg8[%add3A_29, %dma_wait3A_51] : memref<6144x1024xf32, #tpu.memory_space<hbm>> -> memref<64x1024xf32, #tpu.memory_space<hbm>>
      %dma_wait3A_53 = arith.constant 0 : i32
      %dma_wait3A_54 = tpu.memref_slice %arg8[%add3A_29, %dma_wait3A_53] : memref<6144x1024xf32, #tpu.memory_space<hbm>> -> memref<64x1024xf32, #tpu.memory_space<hbm>>
      tpu.wait_dma2 semaphore(%run_scoped3A : memref<!tpu.dma_semaphore, #tpu.memory_space<semaphore_mem>>) src(%arg14 : memref<64x1024xf32, #tpu.memory_space<vmem>>) dst(%dma_wait3A_54 : memref<64x1024xf32, #tpu.memory_space<hbm>>)
      tpu.yield
    }) : () -> ()
    %dma_start3A_30 = arith.constant 128 : i32
    %dma_start3A_31 = tpu.memref_slice %arg13[%dma_start3A_30] : memref<192xi32, #tpu.memory_space<vmem>> -> memref<64xi32, #tpu.memory_space<vmem>>
    %dma_start3A_32 = arith.constant 0 : i32
    %dma_start3A_33 = arith.constant 0 : i32
    %dma_start3A_34 = tpu.memref_slice %arg2[%dma_start3A_32, %dma_start3A_33] : memref<2048x1024xf32, #tpu.memory_space<hbm>> -> memref<2048x1024xf32, #tpu.memory_space<hbm>>
    tpu.enqueue_indirect_dma source(%dma_start3A_34 : memref<2048x1024xf32, #tpu.memory_space<hbm>>) target(%arg14 : memref<64x1024xf32, #tpu.memory_space<vmem>>) offsets(%dma_start3A_31 : memref<64xi32, #tpu.memory_space<vmem>>) semaphore(%arg17 : memref<!tpu.dma_semaphore, #tpu.memory_space<semaphore_mem>>)
    %dma_wait3A_35 = arith.constant 128 : i32
    %dma_wait3A_36 = tpu.memref_slice %arg13[%dma_wait3A_35] : memref<192xi32, #tpu.memory_space<vmem>> -> memref<64xi32, #tpu.memory_space<vmem>>
    %dma_wait3A_37 = arith.constant 0 : i32
    %dma_wait3A_38 = arith.constant 0 : i32
    %dma_wait3A_39 = tpu.memref_slice %arg2[%dma_wait3A_37, %dma_wait3A_38] : memref<2048x1024xf32, #tpu.memory_space<hbm>> -> memref<2048x1024xf32, #tpu.memory_space<hbm>>
    tpu.wait_indirect_dma semaphore(%arg17 : memref<!tpu.dma_semaphore, #tpu.memory_space<semaphore_mem>>) src(%dma_wait3A_39 : memref<2048x1024xf32, #tpu.memory_space<hbm>>) dst(%arg14 : memref<64x1024xf32, #tpu.memory_space<vmem>>)
    %add3A_40 = arith.constant 128 : i32
    %add3A_41 = arith.addi %mul3A_7, %add3A_40 : i32
    "tpu.region"() ({
      %run_scoped3A = tpu.sem_alloc : memref<!tpu.dma_semaphore, #tpu.memory_space<semaphore_mem>>
      %dma_start3A_47 = arith.constant 0 : i32
      %dma_start3A_48 = tpu.memref_slice %arg8[%add3A_41, %dma_start3A_47] : memref<6144x1024xf32, #tpu.memory_space<hbm>> -> memref<64x1024xf32, #tpu.memory_space<hbm>>
      %dma_start3A_49 = arith.constant 0 : i32
      %dma_start3A_50 = tpu.memref_slice %arg8[%add3A_41, %dma_start3A_49] : memref<6144x1024xf32, #tpu.memory_space<hbm>> -> memref<64x1024xf32, #tpu.memory_space<hbm>>
      tpu.enqueue_dma source(%arg14 : memref<64x1024xf32, #tpu.memory_space<vmem>>) target(%dma_start3A_50 : memref<64x1024xf32, #tpu.memory_space<hbm>>) target_semaphore(%run_scoped3A : memref<!tpu.dma_semaphore, #tpu.memory_space<semaphore_mem>>)
      %dma_wait3A_51 = arith.constant 0 : i32
      %dma_wait3A_52 = tpu.memref_slice %arg8[%add3A_41, %dma_wait3A_51] : memref<6144x1024xf32, #tpu.memory_space<hbm>> -> memref<64x1024xf32, #tpu.memory_space<hbm>>
      %dma_wait3A_53 = arith.constant 0 : i32
      %dma_wait3A_54 = tpu.memref_slice %arg8[%add3A_41, %dma_wait3A_53] : memref<6144x1024xf32, #tpu.memory_space<hbm>> -> memref<64x1024xf32, #tpu.memory_space<hbm>>
      tpu.wait_dma2 semaphore(%run_scoped3A : memref<!tpu.dma_semaphore, #tpu.memory_space<semaphore_mem>>) src(%arg14 : memref<64x1024xf32, #tpu.memory_space<vmem>>) dst(%dma_wait3A_54 : memref<64x1024xf32, #tpu.memory_space<hbm>>)
      tpu.yield
    }) : () -> ()
    %eq3A_42 = arith.constant 0 : i32
    %eq3A_43 = arith.cmpi eq, %add3A, %eq3A_42 : i32
    %convert_element_type3A_44 = arith.extui %eq3A_43 : i1 to i32
    %cond3A_45 = arith.constant 0 : i32
    %cond3A_46 = arith.cmpi ne, %convert_element_type3A_44, %cond3A_45 : i32
    scf.if %cond3A_46 {
      "tpu.region"() ({
        %run_scoped3A = tpu.sem_alloc : memref<!tpu.dma_semaphore, #tpu.memory_space<semaphore_mem>>
        tpu.enqueue_dma source(%arg16 : memref<6144xf32, #tpu.memory_space<vmem_shared>>) target(%arg9 : memref<6144xf32, #tpu.memory_space<hbm>>) target_semaphore(%run_scoped3A : memref<!tpu.dma_semaphore, #tpu.memory_space<semaphore_mem>>)
        tpu.wait_dma2 semaphore(%run_scoped3A : memref<!tpu.dma_semaphore, #tpu.memory_space<semaphore_mem>>) src(%arg16 : memref<6144xf32, #tpu.memory_space<vmem_shared>>) dst(%arg9 : memref<6144xf32, #tpu.memory_space<hbm>>)
        tpu.yield
      }) : () -> ()
    } else {
    }
    return
  }
}

#map = affine_map<(d0, d1) -> (0, 0)>
#map1 = affine_map<(d0, d1) -> (0)>
module attributes {stable_mosaic.version = 14 : i64} {
  func.func @_combine_body(%arg0: i32, %arg1: i32, %arg2: memref<6144x1024xf32, #tpu.memory_space<hbm>>, %arg3: memref<4096xi32, #tpu.memory_space<hbm>>, %arg4: memref<4096x1024xf32, #tpu.memory_space<hbm>>, %arg5: memref<128xi32, #tpu.memory_space<vmem>>, %arg6: memref<32x1024xf32, #tpu.memory_space<vmem>>, %arg7: memref<32x1024xf32, #tpu.memory_space<vmem>>, %arg8: memref<!tpu.dma_semaphore, #tpu.memory_space<semaphore_mem>>) attributes {dimension_semantics = [#tpu.dimension_semantics<core_parallel>, #tpu.dimension_semantics<subcore_parallel>], iteration_bounds = array<i64: 2, 16>, scalar_prefetch = 0 : i64, scratch_operands = 4 : i64, tpu.core_type = #tpu.core_type<sc_vector_subcore>, window_params = [{transform_indices = #map}, {transform_indices = #map1}, {transform_indices = #map}]} {
    %mul3A = arith.constant 2 : i32
    %mul3A_0 = arith.muli %arg1, %mul3A : i32
    %add3A = arith.addi %mul3A_0, %arg0 : i32
    %mul3A_1 = arith.constant 64 : i32
    %mul3A_2 = arith.muli %add3A, %mul3A_1 : i32
    "tpu.region"() ({
      %run_scoped3A = tpu.sem_alloc : memref<!tpu.dma_semaphore, #tpu.memory_space<semaphore_mem>>
      %dma_start3A_55 = arith.constant 0 : i32
      %dma_start3A_56 = tpu.memref_slice %arg5[%dma_start3A_55] : memref<128xi32, #tpu.memory_space<vmem>> -> memref<64xi32, #tpu.memory_space<vmem>>
      %dma_start3A_57 = tpu.memref_slice %arg3[%mul3A_2] : memref<4096xi32, #tpu.memory_space<hbm>> -> memref<64xi32, #tpu.memory_space<hbm>>
      %dma_start3A_58 = arith.constant 0 : i32
      %dma_start3A_59 = tpu.memref_slice %arg5[%dma_start3A_58] : memref<128xi32, #tpu.memory_space<vmem>> -> memref<64xi32, #tpu.memory_space<vmem>>
      %dma_start3A_60 = tpu.memref_slice %arg3[%mul3A_2] : memref<4096xi32, #tpu.memory_space<hbm>> -> memref<64xi32, #tpu.memory_space<hbm>>
      tpu.enqueue_dma source(%dma_start3A_60 : memref<64xi32, #tpu.memory_space<hbm>>) target(%dma_start3A_59 : memref<64xi32, #tpu.memory_space<vmem>>) target_semaphore(%run_scoped3A : memref<!tpu.dma_semaphore, #tpu.memory_space<semaphore_mem>>)
      %dma_wait3A_61 = arith.constant 0 : i32
      %dma_wait3A_62 = tpu.memref_slice %arg5[%dma_wait3A_61] : memref<128xi32, #tpu.memory_space<vmem>> -> memref<64xi32, #tpu.memory_space<vmem>>
      %dma_wait3A_63 = tpu.memref_slice %arg3[%mul3A_2] : memref<4096xi32, #tpu.memory_space<hbm>> -> memref<64xi32, #tpu.memory_space<hbm>>
      %dma_wait3A_64 = arith.constant 0 : i32
      %dma_wait3A_65 = tpu.memref_slice %arg5[%dma_wait3A_64] : memref<128xi32, #tpu.memory_space<vmem>> -> memref<64xi32, #tpu.memory_space<vmem>>
      %dma_wait3A_66 = tpu.memref_slice %arg3[%mul3A_2] : memref<4096xi32, #tpu.memory_space<hbm>> -> memref<64xi32, #tpu.memory_space<hbm>>
      tpu.wait_dma2 semaphore(%run_scoped3A : memref<!tpu.dma_semaphore, #tpu.memory_space<semaphore_mem>>) src(%dma_wait3A_66 : memref<64xi32, #tpu.memory_space<hbm>>) dst(%dma_wait3A_65 : memref<64xi32, #tpu.memory_space<vmem>>)
      tpu.yield
    }) : () -> ()
    %add3A_3 = arith.constant 2048 : i32
    %add3A_4 = arith.addi %add3A_3, %mul3A_2 : i32
    "tpu.region"() ({
      %run_scoped3A = tpu.sem_alloc : memref<!tpu.dma_semaphore, #tpu.memory_space<semaphore_mem>>
      %dma_start3A_55 = arith.constant 64 : i32
      %dma_start3A_56 = tpu.memref_slice %arg5[%dma_start3A_55] : memref<128xi32, #tpu.memory_space<vmem>> -> memref<64xi32, #tpu.memory_space<vmem>>
      %dma_start3A_57 = tpu.memref_slice %arg3[%add3A_4] : memref<4096xi32, #tpu.memory_space<hbm>> -> memref<64xi32, #tpu.memory_space<hbm>>
      %dma_start3A_58 = arith.constant 64 : i32
      %dma_start3A_59 = tpu.memref_slice %arg5[%dma_start3A_58] : memref<128xi32, #tpu.memory_space<vmem>> -> memref<64xi32, #tpu.memory_space<vmem>>
      %dma_start3A_60 = tpu.memref_slice %arg3[%add3A_4] : memref<4096xi32, #tpu.memory_space<hbm>> -> memref<64xi32, #tpu.memory_space<hbm>>
      tpu.enqueue_dma source(%dma_start3A_60 : memref<64xi32, #tpu.memory_space<hbm>>) target(%dma_start3A_59 : memref<64xi32, #tpu.memory_space<vmem>>) target_semaphore(%run_scoped3A : memref<!tpu.dma_semaphore, #tpu.memory_space<semaphore_mem>>)
      %dma_wait3A_61 = arith.constant 64 : i32
      %dma_wait3A_62 = tpu.memref_slice %arg5[%dma_wait3A_61] : memref<128xi32, #tpu.memory_space<vmem>> -> memref<64xi32, #tpu.memory_space<vmem>>
      %dma_wait3A_63 = tpu.memref_slice %arg3[%add3A_4] : memref<4096xi32, #tpu.memory_space<hbm>> -> memref<64xi32, #tpu.memory_space<hbm>>
      %dma_wait3A_64 = arith.constant 64 : i32
      %dma_wait3A_65 = tpu.memref_slice %arg5[%dma_wait3A_64] : memref<128xi32, #tpu.memory_space<vmem>> -> memref<64xi32, #tpu.memory_space<vmem>>
      %dma_wait3A_66 = tpu.memref_slice %arg3[%add3A_4] : memref<4096xi32, #tpu.memory_space<hbm>> -> memref<64xi32, #tpu.memory_space<hbm>>
      tpu.wait_dma2 semaphore(%run_scoped3A : memref<!tpu.dma_semaphore, #tpu.memory_space<semaphore_mem>>) src(%dma_wait3A_66 : memref<64xi32, #tpu.memory_space<hbm>>) dst(%dma_wait3A_65 : memref<64xi32, #tpu.memory_space<vmem>>)
      tpu.yield
    }) : () -> ()
    %dma_start3A = arith.constant 0 : i32
    %dma_start3A_5 = tpu.memref_slice %arg5[%dma_start3A] : memref<128xi32, #tpu.memory_space<vmem>> -> memref<32xi32, #tpu.memory_space<vmem>>
    %dma_start3A_6 = arith.constant 0 : i32
    %dma_start3A_7 = arith.constant 0 : i32
    %dma_start3A_8 = tpu.memref_slice %arg2[%dma_start3A_6, %dma_start3A_7] : memref<6144x1024xf32, #tpu.memory_space<hbm>> -> memref<6144x1024xf32, #tpu.memory_space<hbm>>
    tpu.enqueue_indirect_dma source(%dma_start3A_8 : memref<6144x1024xf32, #tpu.memory_space<hbm>>) target(%arg6 : memref<32x1024xf32, #tpu.memory_space<vmem>>) offsets(%dma_start3A_5 : memref<32xi32, #tpu.memory_space<vmem>>) semaphore(%arg8 : memref<!tpu.dma_semaphore, #tpu.memory_space<semaphore_mem>>)
    %dma_wait3A = arith.constant 0 : i32
    %dma_wait3A_9 = tpu.memref_slice %arg5[%dma_wait3A] : memref<128xi32, #tpu.memory_space<vmem>> -> memref<32xi32, #tpu.memory_space<vmem>>
    %dma_wait3A_10 = arith.constant 0 : i32
    %dma_wait3A_11 = arith.constant 0 : i32
    %dma_wait3A_12 = tpu.memref_slice %arg2[%dma_wait3A_10, %dma_wait3A_11] : memref<6144x1024xf32, #tpu.memory_space<hbm>> -> memref<6144x1024xf32, #tpu.memory_space<hbm>>
    tpu.wait_indirect_dma semaphore(%arg8 : memref<!tpu.dma_semaphore, #tpu.memory_space<semaphore_mem>>) src(%dma_wait3A_12 : memref<6144x1024xf32, #tpu.memory_space<hbm>>) dst(%arg6 : memref<32x1024xf32, #tpu.memory_space<vmem>>)
    %dma_start3A_13 = arith.constant 64 : i32
    %dma_start3A_14 = tpu.memref_slice %arg5[%dma_start3A_13] : memref<128xi32, #tpu.memory_space<vmem>> -> memref<32xi32, #tpu.memory_space<vmem>>
    %dma_start3A_15 = arith.constant 0 : i32
    %dma_start3A_16 = arith.constant 0 : i32
    %dma_start3A_17 = tpu.memref_slice %arg2[%dma_start3A_15, %dma_start3A_16] : memref<6144x1024xf32, #tpu.memory_space<hbm>> -> memref<6144x1024xf32, #tpu.memory_space<hbm>>
    tpu.enqueue_indirect_dma source(%dma_start3A_17 : memref<6144x1024xf32, #tpu.memory_space<hbm>>) target(%arg7 : memref<32x1024xf32, #tpu.memory_space<vmem>>) offsets(%dma_start3A_14 : memref<32xi32, #tpu.memory_space<vmem>>) semaphore(%arg8 : memref<!tpu.dma_semaphore, #tpu.memory_space<semaphore_mem>>)
    %dma_wait3A_18 = arith.constant 64 : i32
    %dma_wait3A_19 = tpu.memref_slice %arg5[%dma_wait3A_18] : memref<128xi32, #tpu.memory_space<vmem>> -> memref<32xi32, #tpu.memory_space<vmem>>
    %dma_wait3A_20 = arith.constant 0 : i32
    %dma_wait3A_21 = arith.constant 0 : i32
    %dma_wait3A_22 = tpu.memref_slice %arg2[%dma_wait3A_20, %dma_wait3A_21] : memref<6144x1024xf32, #tpu.memory_space<hbm>> -> memref<6144x1024xf32, #tpu.memory_space<hbm>>
    tpu.wait_indirect_dma semaphore(%arg8 : memref<!tpu.dma_semaphore, #tpu.memory_space<semaphore_mem>>) src(%dma_wait3A_22 : memref<6144x1024xf32, #tpu.memory_space<hbm>>) dst(%arg7 : memref<32x1024xf32, #tpu.memory_space<vmem>>)
    %add3A_23 = arith.constant 0 : i32
    %add3A_24 = arith.addi %mul3A_2, %add3A_23 : i32
    "tpu.region"() ({
      %run_scoped3A = tpu.sem_alloc : memref<!tpu.dma_semaphore, #tpu.memory_space<semaphore_mem>>
      %dma_start3A_55 = arith.constant 0 : i32
      %dma_start3A_56 = tpu.memref_slice %arg4[%add3A_24, %dma_start3A_55] : memref<4096x1024xf32, #tpu.memory_space<hbm>> -> memref<32x1024xf32, #tpu.memory_space<hbm>>
      %dma_start3A_57 = arith.constant 0 : i32
      %dma_start3A_58 = tpu.memref_slice %arg4[%add3A_24, %dma_start3A_57] : memref<4096x1024xf32, #tpu.memory_space<hbm>> -> memref<32x1024xf32, #tpu.memory_space<hbm>>
      tpu.enqueue_dma source(%arg6 : memref<32x1024xf32, #tpu.memory_space<vmem>>) target(%dma_start3A_58 : memref<32x1024xf32, #tpu.memory_space<hbm>>) target_semaphore(%run_scoped3A : memref<!tpu.dma_semaphore, #tpu.memory_space<semaphore_mem>>)
      %dma_wait3A_59 = arith.constant 0 : i32
      %dma_wait3A_60 = tpu.memref_slice %arg4[%add3A_24, %dma_wait3A_59] : memref<4096x1024xf32, #tpu.memory_space<hbm>> -> memref<32x1024xf32, #tpu.memory_space<hbm>>
      %dma_wait3A_61 = arith.constant 0 : i32
      %dma_wait3A_62 = tpu.memref_slice %arg4[%add3A_24, %dma_wait3A_61] : memref<4096x1024xf32, #tpu.memory_space<hbm>> -> memref<32x1024xf32, #tpu.memory_space<hbm>>
      tpu.wait_dma2 semaphore(%run_scoped3A : memref<!tpu.dma_semaphore, #tpu.memory_space<semaphore_mem>>) src(%arg6 : memref<32x1024xf32, #tpu.memory_space<vmem>>) dst(%dma_wait3A_62 : memref<32x1024xf32, #tpu.memory_space<hbm>>)
      tpu.yield
    }) : () -> ()
    %add3A_25 = arith.constant 2048 : i32
    %add3A_26 = arith.addi %add3A_25, %mul3A_2 : i32
    %add3A_27 = arith.constant 0 : i32
    %add3A_28 = arith.addi %add3A_26, %add3A_27 : i32
    "tpu.region"() ({
      %run_scoped3A = tpu.sem_alloc : memref<!tpu.dma_semaphore, #tpu.memory_space<semaphore_mem>>
      %dma_start3A_55 = arith.constant 0 : i32
      %dma_start3A_56 = tpu.memref_slice %arg4[%add3A_28, %dma_start3A_55] : memref<4096x1024xf32, #tpu.memory_space<hbm>> -> memref<32x1024xf32, #tpu.memory_space<hbm>>
      %dma_start3A_57 = arith.constant 0 : i32
      %dma_start3A_58 = tpu.memref_slice %arg4[%add3A_28, %dma_start3A_57] : memref<4096x1024xf32, #tpu.memory_space<hbm>> -> memref<32x1024xf32, #tpu.memory_space<hbm>>
      tpu.enqueue_dma source(%arg7 : memref<32x1024xf32, #tpu.memory_space<vmem>>) target(%dma_start3A_58 : memref<32x1024xf32, #tpu.memory_space<hbm>>) target_semaphore(%run_scoped3A : memref<!tpu.dma_semaphore, #tpu.memory_space<semaphore_mem>>)
      %dma_wait3A_59 = arith.constant 0 : i32
      %dma_wait3A_60 = tpu.memref_slice %arg4[%add3A_28, %dma_wait3A_59] : memref<4096x1024xf32, #tpu.memory_space<hbm>> -> memref<32x1024xf32, #tpu.memory_space<hbm>>
      %dma_wait3A_61 = arith.constant 0 : i32
      %dma_wait3A_62 = tpu.memref_slice %arg4[%add3A_28, %dma_wait3A_61] : memref<4096x1024xf32, #tpu.memory_space<hbm>> -> memref<32x1024xf32, #tpu.memory_space<hbm>>
      tpu.wait_dma2 semaphore(%run_scoped3A : memref<!tpu.dma_semaphore, #tpu.memory_space<semaphore_mem>>) src(%arg7 : memref<32x1024xf32, #tpu.memory_space<vmem>>) dst(%dma_wait3A_62 : memref<32x1024xf32, #tpu.memory_space<hbm>>)
      tpu.yield
    }) : () -> ()
    %dma_start3A_29 = arith.constant 32 : i32
    %dma_start3A_30 = tpu.memref_slice %arg5[%dma_start3A_29] : memref<128xi32, #tpu.memory_space<vmem>> -> memref<32xi32, #tpu.memory_space<vmem>>
    %dma_start3A_31 = arith.constant 0 : i32
    %dma_start3A_32 = arith.constant 0 : i32
    %dma_start3A_33 = tpu.memref_slice %arg2[%dma_start3A_31, %dma_start3A_32] : memref<6144x1024xf32, #tpu.memory_space<hbm>> -> memref<6144x1024xf32, #tpu.memory_space<hbm>>
    tpu.enqueue_indirect_dma source(%dma_start3A_33 : memref<6144x1024xf32, #tpu.memory_space<hbm>>) target(%arg6 : memref<32x1024xf32, #tpu.memory_space<vmem>>) offsets(%dma_start3A_30 : memref<32xi32, #tpu.memory_space<vmem>>) semaphore(%arg8 : memref<!tpu.dma_semaphore, #tpu.memory_space<semaphore_mem>>)
    %dma_wait3A_34 = arith.constant 32 : i32
    %dma_wait3A_35 = tpu.memref_slice %arg5[%dma_wait3A_34] : memref<128xi32, #tpu.memory_space<vmem>> -> memref<32xi32, #tpu.memory_space<vmem>>
    %dma_wait3A_36 = arith.constant 0 : i32
    %dma_wait3A_37 = arith.constant 0 : i32
    %dma_wait3A_38 = tpu.memref_slice %arg2[%dma_wait3A_36, %dma_wait3A_37] : memref<6144x1024xf32, #tpu.memory_space<hbm>> -> memref<6144x1024xf32, #tpu.memory_space<hbm>>
    tpu.wait_indirect_dma semaphore(%arg8 : memref<!tpu.dma_semaphore, #tpu.memory_space<semaphore_mem>>) src(%dma_wait3A_38 : memref<6144x1024xf32, #tpu.memory_space<hbm>>) dst(%arg6 : memref<32x1024xf32, #tpu.memory_space<vmem>>)
    %dma_start3A_39 = arith.constant 96 : i32
    %dma_start3A_40 = tpu.memref_slice %arg5[%dma_start3A_39] : memref<128xi32, #tpu.memory_space<vmem>> -> memref<32xi32, #tpu.memory_space<vmem>>
    %dma_start3A_41 = arith.constant 0 : i32
    %dma_start3A_42 = arith.constant 0 : i32
    %dma_start3A_43 = tpu.memref_slice %arg2[%dma_start3A_41, %dma_start3A_42] : memref<6144x1024xf32, #tpu.memory_space<hbm>> -> memref<6144x1024xf32, #tpu.memory_space<hbm>>
    tpu.enqueue_indirect_dma source(%dma_start3A_43 : memref<6144x1024xf32, #tpu.memory_space<hbm>>) target(%arg7 : memref<32x1024xf32, #tpu.memory_space<vmem>>) offsets(%dma_start3A_40 : memref<32xi32, #tpu.memory_space<vmem>>) semaphore(%arg8 : memref<!tpu.dma_semaphore, #tpu.memory_space<semaphore_mem>>)
    %dma_wait3A_44 = arith.constant 96 : i32
    %dma_wait3A_45 = tpu.memref_slice %arg5[%dma_wait3A_44] : memref<128xi32, #tpu.memory_space<vmem>> -> memref<32xi32, #tpu.memory_space<vmem>>
    %dma_wait3A_46 = arith.constant 0 : i32
    %dma_wait3A_47 = arith.constant 0 : i32
    %dma_wait3A_48 = tpu.memref_slice %arg2[%dma_wait3A_46, %dma_wait3A_47] : memref<6144x1024xf32, #tpu.memory_space<hbm>> -> memref<6144x1024xf32, #tpu.memory_space<hbm>>
    tpu.wait_indirect_dma semaphore(%arg8 : memref<!tpu.dma_semaphore, #tpu.memory_space<semaphore_mem>>) src(%dma_wait3A_48 : memref<6144x1024xf32, #tpu.memory_space<hbm>>) dst(%arg7 : memref<32x1024xf32, #tpu.memory_space<vmem>>)
    %add3A_49 = arith.constant 32 : i32
    %add3A_50 = arith.addi %mul3A_2, %add3A_49 : i32
    "tpu.region"() ({
      %run_scoped3A = tpu.sem_alloc : memref<!tpu.dma_semaphore, #tpu.memory_space<semaphore_mem>>
      %dma_start3A_55 = arith.constant 0 : i32
      %dma_start3A_56 = tpu.memref_slice %arg4[%add3A_50, %dma_start3A_55] : memref<4096x1024xf32, #tpu.memory_space<hbm>> -> memref<32x1024xf32, #tpu.memory_space<hbm>>
      %dma_start3A_57 = arith.constant 0 : i32
      %dma_start3A_58 = tpu.memref_slice %arg4[%add3A_50, %dma_start3A_57] : memref<4096x1024xf32, #tpu.memory_space<hbm>> -> memref<32x1024xf32, #tpu.memory_space<hbm>>
      tpu.enqueue_dma source(%arg6 : memref<32x1024xf32, #tpu.memory_space<vmem>>) target(%dma_start3A_58 : memref<32x1024xf32, #tpu.memory_space<hbm>>) target_semaphore(%run_scoped3A : memref<!tpu.dma_semaphore, #tpu.memory_space<semaphore_mem>>)
      %dma_wait3A_59 = arith.constant 0 : i32
      %dma_wait3A_60 = tpu.memref_slice %arg4[%add3A_50, %dma_wait3A_59] : memref<4096x1024xf32, #tpu.memory_space<hbm>> -> memref<32x1024xf32, #tpu.memory_space<hbm>>
      %dma_wait3A_61 = arith.constant 0 : i32
      %dma_wait3A_62 = tpu.memref_slice %arg4[%add3A_50, %dma_wait3A_61] : memref<4096x1024xf32, #tpu.memory_space<hbm>> -> memref<32x1024xf32, #tpu.memory_space<hbm>>
      tpu.wait_dma2 semaphore(%run_scoped3A : memref<!tpu.dma_semaphore, #tpu.memory_space<semaphore_mem>>) src(%arg6 : memref<32x1024xf32, #tpu.memory_space<vmem>>) dst(%dma_wait3A_62 : memref<32x1024xf32, #tpu.memory_space<hbm>>)
      tpu.yield
    }) : () -> ()
    %add3A_51 = arith.constant 2048 : i32
    %add3A_52 = arith.addi %add3A_51, %mul3A_2 : i32
    %add3A_53 = arith.constant 32 : i32
    %add3A_54 = arith.addi %add3A_52, %add3A_53 : i32
    "tpu.region"() ({
      %run_scoped3A = tpu.sem_alloc : memref<!tpu.dma_semaphore, #tpu.memory_space<semaphore_mem>>
      %dma_start3A_55 = arith.constant 0 : i32
      %dma_start3A_56 = tpu.memref_slice %arg4[%add3A_54, %dma_start3A_55] : memref<4096x1024xf32, #tpu.memory_space<hbm>> -> memref<32x1024xf32, #tpu.memory_space<hbm>>
      %dma_start3A_57 = arith.constant 0 : i32
      %dma_start3A_58 = tpu.memref_slice %arg4[%add3A_54, %dma_start3A_57] : memref<4096x1024xf32, #tpu.memory_space<hbm>> -> memref<32x1024xf32, #tpu.memory_space<hbm>>
      tpu.enqueue_dma source(%arg7 : memref<32x1024xf32, #tpu.memory_space<vmem>>) target(%dma_start3A_58 : memref<32x1024xf32, #tpu.memory_space<hbm>>) target_semaphore(%run_scoped3A : memref<!tpu.dma_semaphore, #tpu.memory_space<semaphore_mem>>)
      %dma_wait3A_59 = arith.constant 0 : i32
      %dma_wait3A_60 = tpu.memref_slice %arg4[%add3A_54, %dma_wait3A_59] : memref<4096x1024xf32, #tpu.memory_space<hbm>> -> memref<32x1024xf32, #tpu.memory_space<hbm>>
      %dma_wait3A_61 = arith.constant 0 : i32
      %dma_wait3A_62 = tpu.memref_slice %arg4[%add3A_54, %dma_wait3A_61] : memref<4096x1024xf32, #tpu.memory_space<hbm>> -> memref<32x1024xf32, #tpu.memory_space<hbm>>
      tpu.wait_dma2 semaphore(%run_scoped3A : memref<!tpu.dma_semaphore, #tpu.memory_space<semaphore_mem>>) src(%arg7 : memref<32x1024xf32, #tpu.memory_space<vmem>>) dst(%dma_wait3A_62 : memref<32x1024xf32, #tpu.memory_space<hbm>>)
      tpu.yield
    }) : () -> ()
    return
  }
}

module attributes {stable_mosaic.version = 14 : i64} {
  func.func @_router_meta_kernel(%arg0: memref<2048x1024xf32, #tpu.memory_space<vmem>>, %arg1: memref<8x1024xf32, #tpu.memory_space<vmem>>, %arg2: memref<2048x1xi32, #tpu.memory_space<vmem>>, %arg3: memref<2048x1xi32, #tpu.memory_space<vmem>>, %arg4: memref<2048x1xf32, #tpu.memory_space<vmem>>, %arg5: memref<2048x1xf32, #tpu.memory_space<vmem>>, %arg6: memref<1x24xi32, #tpu.memory_space<vmem>>) attributes {dimension_semantics = [], scalar_prefetch = 0 : i64, scratch_operands = 0 : i64, tpu.core_type = #tpu.core_type<tc>} {
    %get3A = arith.constant 0 : index
    %get3A_0 = arith.constant 0 : index
    %get3A_1 = vector.load %arg0[%get3A, %get3A_0] : memref<2048x1024xf32, #tpu.memory_space<vmem>>, vector<2048x1024xf32>
    %get3A_2 = arith.constant 0 : index
    %get3A_3 = arith.constant 0 : index
    %get3A_4 = vector.load %arg1[%get3A_2, %get3A_3] : memref<8x1024xf32, #tpu.memory_space<vmem>>, vector<8x1024xf32>
    %transpose3A = tpu.transpose %get3A_4, [1, 0] : vector<8x1024xf32> -> vector<1024x8xf32>
    %dot_general3A = arith.constant dense<0.000000e+00> : vector<2048x8xf32>
    %dot_general3A_5 = tpu.matmul %get3A_1, %transpose3A, %dot_general3A {dimension_numbers = #tpu.dot_dimension_numbers<[1], [0], [0], [1], [0, 0, 1, 1], [], []>, transpose_lhs_hint = false} : vector<2048x1024xf32>, vector<1024x8xf32>, vector<2048x8xf32> -> vector<2048x8xf32>
    %reduce_max3A = arith.constant dense<0xFF800000> : vector<2048xf32>
    %reduce_max3A_6 = vector.multi_reduction <maximumf>, %dot_general3A_5, %reduce_max3A [1] : vector<2048x8xf32> to vector<2048xf32>
    %broadcast_in_dim3A = vector.shape_cast %reduce_max3A_6 : vector<2048xf32> to vector<2048x1xf32>
    %sub3A = vector.broadcast %broadcast_in_dim3A : vector<2048x1xf32> to vector<2048x8xf32>
    %sub3A_7 = arith.subf %dot_general3A_5, %sub3A : vector<2048x8xf32>
    %exp3A = math.exp %sub3A_7 : vector<2048x8xf32>
    %reduce_sum3A = arith.constant dense<0.000000e+00> : vector<2048xf32>
    %reduce_sum3A_8 = vector.multi_reduction <add>, %exp3A, %reduce_sum3A [1] : vector<2048x8xf32> to vector<2048xf32>
    %broadcast_in_dim3A_9 = vector.shape_cast %reduce_sum3A_8 : vector<2048xf32> to vector<2048x1xf32>
    %div3A = vector.broadcast %broadcast_in_dim3A_9 : vector<2048x1xf32> to vector<2048x8xf32>
    %div3A_10 = arith.divf %exp3A, %div3A : vector<2048x8xf32>
    %iota3A = tpu.iota {dimensions = array<i32: 1>} : vector<2048x8xi32>
    %reduce_max3A_11 = arith.constant dense<0xFF800000> : vector<2048xf32>
    %reduce_max3A_12 = vector.multi_reduction <maximumf>, %div3A_10, %reduce_max3A_11 [1] : vector<2048x8xf32> to vector<2048xf32>
    %broadcast_in_dim3A_13 = vector.shape_cast %reduce_max3A_12 : vector<2048xf32> to vector<2048x1xf32>
    %eq3A = vector.broadcast %broadcast_in_dim3A_13 : vector<2048x1xf32> to vector<2048x8xf32>
    %eq3A_14 = arith.cmpf oeq, %div3A_10, %eq3A : vector<2048x8xf32>
    %jit3A = arith.constant 8 : i32
    %broadcast_in_dim3A_15 = vector.broadcast %jit3A : i32 to vector<2048x8xi32>
    %select_n3A = arith.select %eq3A_14, %iota3A, %broadcast_in_dim3A_15 : vector<2048x8xi1>, vector<2048x8xi32>
    %reduce_min3A = arith.constant dense<2147483647> : vector<2048xi32>
    %reduce_min3A_16 = vector.multi_reduction <minsi>, %select_n3A, %reduce_min3A [1] : vector<2048x8xi32> to vector<2048xi32>
    %broadcast_in_dim3A_17 = vector.shape_cast %reduce_min3A_16 : vector<2048xi32> to vector<2048x1xi32>
    %eq3A_18 = vector.broadcast %broadcast_in_dim3A_17 : vector<2048x1xi32> to vector<2048x8xi32>
    %eq3A_19 = arith.cmpi eq, %iota3A, %eq3A_18 : vector<2048x8xi32>
    %jit3A_20 = arith.constant 0xFF800000 : f32
    %broadcast_in_dim3A_21 = vector.broadcast %jit3A_20 : f32 to vector<2048x8xf32>
    %select_n3A_22 = arith.select %eq3A_19, %broadcast_in_dim3A_21, %div3A_10 : vector<2048x8xi1>, vector<2048x8xf32>
    %reduce_max3A_23 = arith.constant dense<0xFF800000> : vector<2048xf32>
    %reduce_max3A_24 = vector.multi_reduction <maximumf>, %select_n3A_22, %reduce_max3A_23 [1] : vector<2048x8xf32> to vector<2048xf32>
    %broadcast_in_dim3A_25 = vector.shape_cast %reduce_max3A_24 : vector<2048xf32> to vector<2048x1xf32>
    %eq3A_26 = vector.broadcast %broadcast_in_dim3A_25 : vector<2048x1xf32> to vector<2048x8xf32>
    %eq3A_27 = arith.cmpf oeq, %select_n3A_22, %eq3A_26 : vector<2048x8xf32>
    %jit3A_28 = arith.constant 8 : i32
    %broadcast_in_dim3A_29 = vector.broadcast %jit3A_28 : i32 to vector<2048x8xi32>
    %select_n3A_30 = arith.select %eq3A_27, %iota3A, %broadcast_in_dim3A_29 : vector<2048x8xi1>, vector<2048x8xi32>
    %reduce_min3A_31 = arith.constant dense<2147483647> : vector<2048xi32>
    %reduce_min3A_32 = vector.multi_reduction <minsi>, %select_n3A_30, %reduce_min3A_31 [1] : vector<2048x8xi32> to vector<2048xi32>
    %broadcast_in_dim3A_33 = vector.shape_cast %reduce_min3A_32 : vector<2048xi32> to vector<2048x1xi32>
    %eq3A_34 = vector.broadcast %broadcast_in_dim3A_33 : vector<2048x1xi32> to vector<2048x8xi32>
    %eq3A_35 = arith.cmpi eq, %iota3A, %eq3A_34 : vector<2048x8xi32>
    %or3A = arith.ori %eq3A_19, %eq3A_35 : vector<2048x8xi1>
    %add3A = arith.addf %broadcast_in_dim3A_13, %broadcast_in_dim3A_25 : vector<2048x1xf32>
    %div3A_36 = arith.divf %broadcast_in_dim3A_13, %add3A : vector<2048x1xf32>
    %swap3A = arith.constant 0 : index
    %swap3A_37 = arith.constant 0 : index
    %swap3A_38 = vector.load %arg4[%swap3A, %swap3A_37] : memref<2048x1xf32, #tpu.memory_space<vmem>>, vector<2048x1xf32>
    tpu.vector_store %arg4[%swap3A, %swap3A_37], %div3A_36 {strides = array<i32>} : memref<2048x1xf32, #tpu.memory_space<vmem>>, vector<2048x1xf32>,
    %div3A_39 = arith.divf %broadcast_in_dim3A_25, %add3A : vector<2048x1xf32>
    %swap3A_40 = arith.constant 0 : index
    %swap3A_41 = arith.constant 0 : index
    %swap3A_42 = vector.load %arg5[%swap3A_40, %swap3A_41] : memref<2048x1xf32, #tpu.memory_space<vmem>>, vector<2048x1xf32>
    tpu.vector_store %arg5[%swap3A_40, %swap3A_41], %div3A_39 {strides = array<i32>} : memref<2048x1xf32, #tpu.memory_space<vmem>>, vector<2048x1xf32>,
    %convert_element_type3A = arith.extui %or3A : vector<2048x8xi1> to vector<2048x8xi32>
    %convert_element_type3A_43 = arith.sitofp %convert_element_type3A : vector<2048x8xi32> to vector<2048x8xf32>
    %convert_element_type3A_44 = arith.truncf %convert_element_type3A_43 : vector<2048x8xf32> to vector<2048x8xbf16>
    %iota3A_45 = tpu.iota {dimensions = array<i32: 0>} : vector<2048x2048xi32>
    %iota3A_46 = tpu.iota {dimensions = array<i32: 1>} : vector<2048x2048xi32>
    %lt3A = arith.cmpi slt, %iota3A_46, %iota3A_45 : vector<2048x2048xi32>
    %convert_element_type3A_47 = arith.extui %lt3A : vector<2048x2048xi1> to vector<2048x2048xi32>
    %convert_element_type3A_48 = arith.sitofp %convert_element_type3A_47 : vector<2048x2048xi32> to vector<2048x2048xf32>
    %convert_element_type3A_49 = arith.truncf %convert_element_type3A_48 : vector<2048x2048xf32> to vector<2048x2048xbf16>
    %dot_general3A_50 = arith.constant dense<0.000000e+00> : vector<2048x8xf32>
    %dot_general3A_51 = tpu.matmul %convert_element_type3A_49, %convert_element_type3A_44, %dot_general3A_50 {dimension_numbers = #tpu.dot_dimension_numbers<[1], [0], [0], [1], [0, 0, 1, 1], [], []>, transpose_lhs_hint = false} : vector<2048x2048xbf16>, vector<2048x8xbf16>, vector<2048x8xf32> -> vector<2048x8xf32>
    %convert_element_type3A_52 = arith.extui %or3A : vector<2048x8xi1> to vector<2048x8xi32>
    %convert_element_type3A_53 = arith.sitofp %convert_element_type3A_52 : vector<2048x8xi32> to vector<2048x8xf32>
    %reduce_sum3A_54 = arith.constant dense<0.000000e+00> : vector<8xf32>
    %reduce_sum3A_55 = vector.multi_reduction <add>, %convert_element_type3A_53, %reduce_sum3A_54 [0] : vector<2048x8xf32> to vector<8xf32>
    %broadcast_in_dim3A_56 = vector.shape_cast %reduce_sum3A_55 : vector<8xf32> to vector<1x8xf32>
    %add3A_57 = arith.constant 2.550000e+02 : f32
    %add3A_58 = vector.broadcast %add3A_57 : f32 to vector<1x8xf32>
    %add3A_59 = arith.addf %broadcast_in_dim3A_56, %add3A_58 : vector<1x8xf32>
    %mul3A = arith.constant 3.906250e-03 : f32
    %mul3A_60 = vector.broadcast %mul3A : f32 to vector<1x8xf32>
    %mul3A_61 = arith.mulf %add3A_59, %mul3A_60 : vector<1x8xf32>
    %floor3A = math.floor %mul3A_61 : vector<1x8xf32>
    %iota3A_62 = tpu.iota {dimensions = array<i32: 0>} : vector<8x8xi32>
    %iota3A_63 = tpu.iota {dimensions = array<i32: 1>} : vector<8x8xi32>
    %lt3A_64 = arith.cmpi slt, %iota3A_62, %iota3A_63 : vector<8x8xi32>
    %convert_element_type3A_65 = arith.extui %lt3A_64 : vector<8x8xi1> to vector<8x8xi32>
    %convert_element_type3A_66 = arith.sitofp %convert_element_type3A_65 : vector<8x8xi32> to vector<8x8xf32>
    %dot_general3A_67 = arith.constant dense<0.000000e+00> : vector<1x8xf32>
    %dot_general3A_68 = tpu.matmul %floor3A, %convert_element_type3A_66, %dot_general3A_67 {dimension_numbers = #tpu.dot_dimension_numbers<[1], [0], [0], [1], [0, 0, 1, 1], [], []>, transpose_lhs_hint = false} : vector<1x8xf32>, vector<8x8xf32>, vector<1x8xf32> -> vector<1x8xf32>
    %mul3A_69 = arith.constant 2.560000e+02 : f32
    %mul3A_70 = vector.broadcast %mul3A_69 : f32 to vector<1x8xf32>
    %mul3A_71 = arith.mulf %dot_general3A_68, %mul3A_70 : vector<1x8xf32>
    %add3A_72 = vector.broadcast %mul3A_71 : vector<1x8xf32> to vector<2048x8xf32>
    %add3A_73 = arith.addf %add3A_72, %dot_general3A_51 : vector<2048x8xf32>
    %jit3A_74 = arith.constant 0.000000e+00 : f32
    %broadcast_in_dim3A_75 = vector.broadcast %jit3A_74 : f32 to vector<2048x8xf32>
    %select_n3A_76 = arith.select %eq3A_19, %add3A_73, %broadcast_in_dim3A_75 : vector<2048x8xi1>, vector<2048x8xf32>
    %reduce_sum3A_77 = arith.constant dense<0.000000e+00> : vector<2048xf32>
    %reduce_sum3A_78 = vector.multi_reduction <add>, %select_n3A_76, %reduce_sum3A_77 [1] : vector<2048x8xf32> to vector<2048xf32>
    %broadcast_in_dim3A_79 = vector.shape_cast %reduce_sum3A_78 : vector<2048xf32> to vector<2048x1xf32>
    %convert_element_type3A_80 = arith.fptosi %broadcast_in_dim3A_79 : vector<2048x1xf32> to vector<2048x1xi32>
    %swap3A_81 = arith.constant 0 : index
    %swap3A_82 = arith.constant 0 : index
    %swap3A_83 = vector.load %arg2[%swap3A_81, %swap3A_82] : memref<2048x1xi32, #tpu.memory_space<vmem>>, vector<2048x1xi32>
    tpu.vector_store %arg2[%swap3A_81, %swap3A_82], %convert_element_type3A_80 {strides = array<i32>} : memref<2048x1xi32, #tpu.memory_space<vmem>>, vector<2048x1xi32>,
    %jit3A_84 = arith.constant 0.000000e+00 : f32
    %broadcast_in_dim3A_85 = vector.broadcast %jit3A_84 : f32 to vector<2048x8xf32>
    %select_n3A_86 = arith.select %eq3A_35, %add3A_73, %broadcast_in_dim3A_85 : vector<2048x8xi1>, vector<2048x8xf32>
    %reduce_sum3A_87 = arith.constant dense<0.000000e+00> : vector<2048xf32>
    %reduce_sum3A_88 = vector.multi_reduction <add>, %select_n3A_86, %reduce_sum3A_87 [1] : vector<2048x8xf32> to vector<2048xf32>
    %broadcast_in_dim3A_89 = vector.shape_cast %reduce_sum3A_88 : vector<2048xf32> to vector<2048x1xf32>
    %convert_element_type3A_90 = arith.fptosi %broadcast_in_dim3A_89 : vector<2048x1xf32> to vector<2048x1xi32>
    %swap3A_91 = arith.constant 0 : index
    %swap3A_92 = arith.constant 0 : index
    %swap3A_93 = vector.load %arg3[%swap3A_91, %swap3A_92] : memref<2048x1xi32, #tpu.memory_space<vmem>>, vector<2048x1xi32>
    tpu.vector_store %arg3[%swap3A_91, %swap3A_92], %convert_element_type3A_90 {strides = array<i32>} : memref<2048x1xi32, #tpu.memory_space<vmem>>, vector<2048x1xi32>,
    %add3A_94 = arith.addf %dot_general3A_68, %floor3A : vector<1x8xf32>
    %iota3A_95 = tpu.iota {dimensions = array<i32: 1>} : vector<1x8xi32>
    %iota3A_96 = tpu.iota {dimensions = array<i32: 1>} : vector<1x24xi32>
    %convert_element_type3A_97 = arith.sitofp %iota3A_96 : vector<1x24xi32> to vector<1x24xf32>
    %broadcast_in_dim3A_98 = arith.constant 0 : i32
    %broadcast_in_dim3A_99 = vector.broadcast %broadcast_in_dim3A_98 : i32 to vector<1x24xi32>
    %eq3A_100 = arith.constant 0 : i32
    %eq3A_101 = vector.broadcast %eq3A_100 : i32 to vector<1x8xi32>
    %eq3A_102 = arith.cmpi eq, %iota3A_95, %eq3A_101 : vector<1x8xi32>
    %jit3A_103 = arith.constant 0.000000e+00 : f32
    %broadcast_in_dim3A_104 = vector.broadcast %jit3A_103 : f32 to vector<1x8xf32>
    %select_n3A_105 = arith.select %eq3A_102, %add3A_94, %broadcast_in_dim3A_104 : vector<1x8xi1>, vector<1x8xf32>
    %reduce_sum3A_106 = arith.constant dense<0.000000e+00> : vector<1xf32>
    %reduce_sum3A_107 = vector.multi_reduction <add>, %select_n3A_105, %reduce_sum3A_106 [1] : vector<1x8xf32> to vector<1xf32>
    %broadcast_in_dim3A_108 = vector.shape_cast %reduce_sum3A_107 : vector<1xf32> to vector<1x1xf32>
    %ge3A = vector.broadcast %broadcast_in_dim3A_108 : vector<1x1xf32> to vector<1x24xf32>
    %ge3A_109 = arith.cmpf oge, %convert_element_type3A_97, %ge3A : vector<1x24xf32>
    %convert_element_type3A_110 = arith.extui %ge3A_109 : vector<1x24xi1> to vector<1x24xi32>
    %add3A_111 = arith.addi %broadcast_in_dim3A_99, %convert_element_type3A_110 : vector<1x24xi32>
    %eq3A_112 = arith.constant 1 : i32
    %eq3A_113 = vector.broadcast %eq3A_112 : i32 to vector<1x8xi32>
    %eq3A_114 = arith.cmpi eq, %iota3A_95, %eq3A_113 : vector<1x8xi32>
    %jit3A_115 = arith.constant 0.000000e+00 : f32
    %broadcast_in_dim3A_116 = vector.broadcast %jit3A_115 : f32 to vector<1x8xf32>
    %select_n3A_117 = arith.select %eq3A_114, %add3A_94, %broadcast_in_dim3A_116 : vector<1x8xi1>, vector<1x8xf32>
    %reduce_sum3A_118 = arith.constant dense<0.000000e+00> : vector<1xf32>
    %reduce_sum3A_119 = vector.multi_reduction <add>, %select_n3A_117, %reduce_sum3A_118 [1] : vector<1x8xf32> to vector<1xf32>
    %broadcast_in_dim3A_120 = vector.shape_cast %reduce_sum3A_119 : vector<1xf32> to vector<1x1xf32>
    %ge3A_121 = vector.broadcast %broadcast_in_dim3A_120 : vector<1x1xf32> to vector<1x24xf32>
    %ge3A_122 = arith.cmpf oge, %convert_element_type3A_97, %ge3A_121 : vector<1x24xf32>
    %convert_element_type3A_123 = arith.extui %ge3A_122 : vector<1x24xi1> to vector<1x24xi32>
    %add3A_124 = arith.addi %add3A_111, %convert_element_type3A_123 : vector<1x24xi32>
    %eq3A_125 = arith.constant 2 : i32
    %eq3A_126 = vector.broadcast %eq3A_125 : i32 to vector<1x8xi32>
    %eq3A_127 = arith.cmpi eq, %iota3A_95, %eq3A_126 : vector<1x8xi32>
    %jit3A_128 = arith.constant 0.000000e+00 : f32
    %broadcast_in_dim3A_129 = vector.broadcast %jit3A_128 : f32 to vector<1x8xf32>
    %select_n3A_130 = arith.select %eq3A_127, %add3A_94, %broadcast_in_dim3A_129 : vector<1x8xi1>, vector<1x8xf32>
    %reduce_sum3A_131 = arith.constant dense<0.000000e+00> : vector<1xf32>
    %reduce_sum3A_132 = vector.multi_reduction <add>, %select_n3A_130, %reduce_sum3A_131 [1] : vector<1x8xf32> to vector<1xf32>
    %broadcast_in_dim3A_133 = vector.shape_cast %reduce_sum3A_132 : vector<1xf32> to vector<1x1xf32>
    %ge3A_134 = vector.broadcast %broadcast_in_dim3A_133 : vector<1x1xf32> to vector<1x24xf32>
    %ge3A_135 = arith.cmpf oge, %convert_element_type3A_97, %ge3A_134 : vector<1x24xf32>
    %convert_element_type3A_136 = arith.extui %ge3A_135 : vector<1x24xi1> to vector<1x24xi32>
    %add3A_137 = arith.addi %add3A_124, %convert_element_type3A_136 : vector<1x24xi32>
    %eq3A_138 = arith.constant 3 : i32
    %eq3A_139 = vector.broadcast %eq3A_138 : i32 to vector<1x8xi32>
    %eq3A_140 = arith.cmpi eq, %iota3A_95, %eq3A_139 : vector<1x8xi32>
    %jit3A_141 = arith.constant 0.000000e+00 : f32
    %broadcast_in_dim3A_142 = vector.broadcast %jit3A_141 : f32 to vector<1x8xf32>
    %select_n3A_143 = arith.select %eq3A_140, %add3A_94, %broadcast_in_dim3A_142 : vector<1x8xi1>, vector<1x8xf32>
    %reduce_sum3A_144 = arith.constant dense<0.000000e+00> : vector<1xf32>
    %reduce_sum3A_145 = vector.multi_reduction <add>, %select_n3A_143, %reduce_sum3A_144 [1] : vector<1x8xf32> to vector<1xf32>
    %broadcast_in_dim3A_146 = vector.shape_cast %reduce_sum3A_145 : vector<1xf32> to vector<1x1xf32>
    %ge3A_147 = vector.broadcast %broadcast_in_dim3A_146 : vector<1x1xf32> to vector<1x24xf32>
    %ge3A_148 = arith.cmpf oge, %convert_element_type3A_97, %ge3A_147 : vector<1x24xf32>
    %convert_element_type3A_149 = arith.extui %ge3A_148 : vector<1x24xi1> to vector<1x24xi32>
    %add3A_150 = arith.addi %add3A_137, %convert_element_type3A_149 : vector<1x24xi32>
    %eq3A_151 = arith.constant 4 : i32
    %eq3A_152 = vector.broadcast %eq3A_151 : i32 to vector<1x8xi32>
    %eq3A_153 = arith.cmpi eq, %iota3A_95, %eq3A_152 : vector<1x8xi32>
    %jit3A_154 = arith.constant 0.000000e+00 : f32
    %broadcast_in_dim3A_155 = vector.broadcast %jit3A_154 : f32 to vector<1x8xf32>
    %select_n3A_156 = arith.select %eq3A_153, %add3A_94, %broadcast_in_dim3A_155 : vector<1x8xi1>, vector<1x8xf32>
    %reduce_sum3A_157 = arith.constant dense<0.000000e+00> : vector<1xf32>
    %reduce_sum3A_158 = vector.multi_reduction <add>, %select_n3A_156, %reduce_sum3A_157 [1] : vector<1x8xf32> to vector<1xf32>
    %broadcast_in_dim3A_159 = vector.shape_cast %reduce_sum3A_158 : vector<1xf32> to vector<1x1xf32>
    %ge3A_160 = vector.broadcast %broadcast_in_dim3A_159 : vector<1x1xf32> to vector<1x24xf32>
    %ge3A_161 = arith.cmpf oge, %convert_element_type3A_97, %ge3A_160 : vector<1x24xf32>
    %convert_element_type3A_162 = arith.extui %ge3A_161 : vector<1x24xi1> to vector<1x24xi32>
    %add3A_163 = arith.addi %add3A_150, %convert_element_type3A_162 : vector<1x24xi32>
    %eq3A_164 = arith.constant 5 : i32
    %eq3A_165 = vector.broadcast %eq3A_164 : i32 to vector<1x8xi32>
    %eq3A_166 = arith.cmpi eq, %iota3A_95, %eq3A_165 : vector<1x8xi32>
    %jit3A_167 = arith.constant 0.000000e+00 : f32
    %broadcast_in_dim3A_168 = vector.broadcast %jit3A_167 : f32 to vector<1x8xf32>
    %select_n3A_169 = arith.select %eq3A_166, %add3A_94, %broadcast_in_dim3A_168 : vector<1x8xi1>, vector<1x8xf32>
    %reduce_sum3A_170 = arith.constant dense<0.000000e+00> : vector<1xf32>
    %reduce_sum3A_171 = vector.multi_reduction <add>, %select_n3A_169, %reduce_sum3A_170 [1] : vector<1x8xf32> to vector<1xf32>
    %broadcast_in_dim3A_172 = vector.shape_cast %reduce_sum3A_171 : vector<1xf32> to vector<1x1xf32>
    %ge3A_173 = vector.broadcast %broadcast_in_dim3A_172 : vector<1x1xf32> to vector<1x24xf32>
    %ge3A_174 = arith.cmpf oge, %convert_element_type3A_97, %ge3A_173 : vector<1x24xf32>
    %convert_element_type3A_175 = arith.extui %ge3A_174 : vector<1x24xi1> to vector<1x24xi32>
    %add3A_176 = arith.addi %add3A_163, %convert_element_type3A_175 : vector<1x24xi32>
    %eq3A_177 = arith.constant 6 : i32
    %eq3A_178 = vector.broadcast %eq3A_177 : i32 to vector<1x8xi32>
    %eq3A_179 = arith.cmpi eq, %iota3A_95, %eq3A_178 : vector<1x8xi32>
    %jit3A_180 = arith.constant 0.000000e+00 : f32
    %broadcast_in_dim3A_181 = vector.broadcast %jit3A_180 : f32 to vector<1x8xf32>
    %select_n3A_182 = arith.select %eq3A_179, %add3A_94, %broadcast_in_dim3A_181 : vector<1x8xi1>, vector<1x8xf32>
    %reduce_sum3A_183 = arith.constant dense<0.000000e+00> : vector<1xf32>
    %reduce_sum3A_184 = vector.multi_reduction <add>, %select_n3A_182, %reduce_sum3A_183 [1] : vector<1x8xf32> to vector<1xf32>
    %broadcast_in_dim3A_185 = vector.shape_cast %reduce_sum3A_184 : vector<1xf32> to vector<1x1xf32>
    %ge3A_186 = vector.broadcast %broadcast_in_dim3A_185 : vector<1x1xf32> to vector<1x24xf32>
    %ge3A_187 = arith.cmpf oge, %convert_element_type3A_97, %ge3A_186 : vector<1x24xf32>
    %convert_element_type3A_188 = arith.extui %ge3A_187 : vector<1x24xi1> to vector<1x24xi32>
    %add3A_189 = arith.addi %add3A_176, %convert_element_type3A_188 : vector<1x24xi32>
    %eq3A_190 = arith.constant 7 : i32
    %eq3A_191 = vector.broadcast %eq3A_190 : i32 to vector<1x8xi32>
    %eq3A_192 = arith.cmpi eq, %iota3A_95, %eq3A_191 : vector<1x8xi32>
    %jit3A_193 = arith.constant 0.000000e+00 : f32
    %broadcast_in_dim3A_194 = vector.broadcast %jit3A_193 : f32 to vector<1x8xf32>
    %select_n3A_195 = arith.select %eq3A_192, %add3A_94, %broadcast_in_dim3A_194 : vector<1x8xi1>, vector<1x8xf32>
    %reduce_sum3A_196 = arith.constant dense<0.000000e+00> : vector<1xf32>
    %reduce_sum3A_197 = vector.multi_reduction <add>, %select_n3A_195, %reduce_sum3A_196 [1] : vector<1x8xf32> to vector<1xf32>
    %broadcast_in_dim3A_198 = vector.shape_cast %reduce_sum3A_197 : vector<1xf32> to vector<1x1xf32>
    %ge3A_199 = vector.broadcast %broadcast_in_dim3A_198 : vector<1x1xf32> to vector<1x24xf32>
    %ge3A_200 = arith.cmpf oge, %convert_element_type3A_97, %ge3A_199 : vector<1x24xf32>
    %convert_element_type3A_201 = arith.extui %ge3A_200 : vector<1x24xi1> to vector<1x24xi32>
    %add3A_202 = arith.addi %add3A_189, %convert_element_type3A_201 : vector<1x24xi32>
    %min3A = arith.constant 7 : i32
    %min3A_203 = vector.broadcast %min3A : i32 to vector<1x24xi32>
    %min3A_204 = arith.minsi %add3A_202, %min3A_203 : vector<1x24xi32>
    %swap3A_205 = arith.constant 0 : index
    %swap3A_206 = arith.constant 0 : index
    %swap3A_207 = vector.load %arg6[%swap3A_205, %swap3A_206] : memref<1x24xi32, #tpu.memory_space<vmem>>, vector<1x24xi32>
    tpu.vector_store %arg6[%swap3A_205, %swap3A_206], %min3A_204 {strides = array<i32>} : memref<1x24xi32, #tpu.memory_space<vmem>>, vector<1x24xi32>,
    return
  }
}

module attributes {stable_mosaic.version = 14 : i64} {
  func.func @_cast_kernel(%arg0: i32, %arg1: memref<1x1024x512xf32, #tpu.memory_space<vmem>>, %arg2: memref<1x1024x512xf32, #tpu.memory_space<vmem>>, %arg3: memref<1x512x1024xf32, #tpu.memory_space<vmem>>, %arg4: memref<1x1024x512xbf16, #tpu.memory_space<vmem>>, %arg5: memref<1x1024x512xbf16, #tpu.memory_space<vmem>>, %arg6: memref<1x512x1024xbf16, #tpu.memory_space<vmem>>) attributes {dimension_semantics = [#tpu.dimension_semantics<arbitrary>], iteration_bounds = array<i64: 8>, scalar_prefetch = 0 : i64, scratch_operands = 0 : i64, tpu.core_type = #tpu.core_type<tc>, window_params = [{transform_indices = @transform_0, window_bounds = array<i64: 1, 1024, 512>}, {transform_indices = @transform_1, window_bounds = array<i64: 1, 1024, 512>}, {transform_indices = @transform_2, window_bounds = array<i64: 1, 512, 1024>}, {transform_indices = @transform_3, window_bounds = array<i64: 1, 1024, 512>}, {transform_indices = @transform_4, window_bounds = array<i64: 1, 1024, 512>}, {transform_indices = @transform_5, window_bounds = array<i64: 1, 512, 1024>}]} {
    %get3A = arith.constant 0 : index
    %get3A_0 = arith.constant 0 : index
    %get3A_1 = arith.constant 0 : index
    %get3A_2 = vector.load %arg1[%get3A, %get3A_0, %get3A_1] : memref<1x1024x512xf32, #tpu.memory_space<vmem>>, vector<1x1024x512xf32>
    %convert_element_type3A = arith.truncf %get3A_2 : vector<1x1024x512xf32> to vector<1x1024x512xbf16>
    %swap3A = arith.constant 0 : index
    %swap3A_3 = arith.constant 0 : index
    %swap3A_4 = arith.constant 0 : index
    %swap3A_5 = vector.load %arg4[%swap3A, %swap3A_3, %swap3A_4] : memref<1x1024x512xbf16, #tpu.memory_space<vmem>>, vector<1x1024x512xbf16>
    tpu.vector_store %arg4[%swap3A, %swap3A_3, %swap3A_4], %convert_element_type3A {strides = array<i32>} : memref<1x1024x512xbf16, #tpu.memory_space<vmem>>, vector<1x1024x512xbf16>,
    %get3A_6 = arith.constant 0 : index
    %get3A_7 = arith.constant 0 : index
    %get3A_8 = arith.constant 0 : index
    %get3A_9 = vector.load %arg2[%get3A_6, %get3A_7, %get3A_8] : memref<1x1024x512xf32, #tpu.memory_space<vmem>>, vector<1x1024x512xf32>
    %convert_element_type3A_10 = arith.truncf %get3A_9 : vector<1x1024x512xf32> to vector<1x1024x512xbf16>
    %swap3A_11 = arith.constant 0 : index
    %swap3A_12 = arith.constant 0 : index
    %swap3A_13 = arith.constant 0 : index
    %swap3A_14 = vector.load %arg5[%swap3A_11, %swap3A_12, %swap3A_13] : memref<1x1024x512xbf16, #tpu.memory_space<vmem>>, vector<1x1024x512xbf16>
    tpu.vector_store %arg5[%swap3A_11, %swap3A_12, %swap3A_13], %convert_element_type3A_10 {strides = array<i32>} : memref<1x1024x512xbf16, #tpu.memory_space<vmem>>, vector<1x1024x512xbf16>,
    %get3A_15 = arith.constant 0 : index
    %get3A_16 = arith.constant 0 : index
    %get3A_17 = arith.constant 0 : index
    %get3A_18 = vector.load %arg3[%get3A_15, %get3A_16, %get3A_17] : memref<1x512x1024xf32, #tpu.memory_space<vmem>>, vector<1x512x1024xf32>
    %convert_element_type3A_19 = arith.truncf %get3A_18 : vector<1x512x1024xf32> to vector<1x512x1024xbf16>
    %swap3A_20 = arith.constant 0 : index
    %swap3A_21 = arith.constant 0 : index
    %swap3A_22 = arith.constant 0 : index
    %swap3A_23 = vector.load %arg6[%swap3A_20, %swap3A_21, %swap3A_22] : memref<1x512x1024xbf16, #tpu.memory_space<vmem>>, vector<1x512x1024xbf16>
    tpu.vector_store %arg6[%swap3A_20, %swap3A_21, %swap3A_22], %convert_element_type3A_19 {strides = array<i32>} : memref<1x512x1024xbf16, #tpu.memory_space<vmem>>, vector<1x512x1024xbf16>,
    return
  }
  func.func @transform_0(%arg0: i32) -> (i32, i32, i32) {
    %c0_i32 = arith.constant 0 : i32
    %c0_i32_0 = arith.constant 0 : i32
    %c0_i32_1 = arith.constant 0 : i32
    return %arg0, %c0_i32, %c0_i32_0 : i32, i32, i32
  }
  func.func @transform_1(%arg0: i32) -> (i32, i32, i32) {
    %c0_i32 = arith.constant 0 : i32
    %c0_i32_0 = arith.constant 0 : i32
    %c0_i32_1 = arith.constant 0 : i32
    return %arg0, %c0_i32, %c0_i32_0 : i32, i32, i32
  }
  func.func @transform_2(%arg0: i32) -> (i32, i32, i32) {
    %c0_i32 = arith.constant 0 : i32
    %c0_i32_0 = arith.constant 0 : i32
    %c0_i32_1 = arith.constant 0 : i32
    return %arg0, %c0_i32, %c0_i32_0 : i32, i32, i32
  }
  func.func @transform_3(%arg0: i32) -> (i32, i32, i32) {
    %c0_i32 = arith.constant 0 : i32
    %c0_i32_0 = arith.constant 0 : i32
    %c0_i32_1 = arith.constant 0 : i32
    return %arg0, %c0_i32, %c0_i32_0 : i32, i32, i32
  }
  func.func @transform_4(%arg0: i32) -> (i32, i32, i32) {
    %c0_i32 = arith.constant 0 : i32
    %c0_i32_0 = arith.constant 0 : i32
    %c0_i32_1 = arith.constant 0 : i32
    return %arg0, %c0_i32, %c0_i32_0 : i32, i32, i32
  }
  func.func @transform_5(%arg0: i32) -> (i32, i32, i32) {
    %c0_i32 = arith.constant 0 : i32
    %c0_i32_0 = arith.constant 0 : i32
    %c0_i32_1 = arith.constant 0 : i32
    return %arg0, %c0_i32, %c0_i32_0 : i32, i32, i32
  }
}

module attributes {stable_mosaic.version = 14 : i64} {
  func.func @_gmm_kernel(%arg0: i32, %arg1: memref<24xi32, #tpu.memory_space<smem>>, %arg2: memref<256x1024xf32, #tpu.memory_space<vmem>>, %arg3: memref<256x1xf32, #tpu.memory_space<vmem>>, %arg4: memref<1x1024x512xbf16, #tpu.memory_space<vmem>>, %arg5: memref<1x1024x512xbf16, #tpu.memory_space<vmem>>, %arg6: memref<1x512x1024xbf16, #tpu.memory_space<vmem>>, %arg7: memref<256x1024xf32, #tpu.memory_space<vmem>>) attributes {dimension_semantics = [#tpu.dimension_semantics<arbitrary>], iteration_bounds = array<i64: 24>, scalar_prefetch = 1 : i64, scratch_operands = 0 : i64, tpu.core_type = #tpu.core_type<tc>, window_params = [{transform_indices = @transform_0, window_bounds = array<i64: 256, 1024>}, {transform_indices = @transform_1, window_bounds = array<i64: 256, 1>}, {transform_indices = @transform_2, window_bounds = array<i64: 1, 1024, 512>}, {transform_indices = @transform_3, window_bounds = array<i64: 1, 1024, 512>}, {transform_indices = @transform_4, window_bounds = array<i64: 1, 512, 1024>}, {transform_indices = @transform_5, window_bounds = array<i64: 256, 1024>}]} {
    %get3A = arith.constant 0 : index
    %get3A_0 = arith.constant 0 : index
    %get3A_1 = vector.load %arg2[%get3A, %get3A_0] : memref<256x1024xf32, #tpu.memory_space<vmem>>, vector<256x1024xf32>
    %convert_element_type3A = arith.truncf %get3A_1 : vector<256x1024xf32> to vector<256x1024xbf16>
    %get3A_2 = arith.constant 0 : index
    %get3A_3 = arith.constant 0 : index
    %get3A_4 = arith.constant 0 : index
    %get3A_5 = vector.load %arg4[%get3A_2, %get3A_3, %get3A_4] : memref<1x1024x512xbf16, #tpu.memory_space<vmem>>, vector<1x1024x512xbf16>
    %get3A_6 = vector.shape_cast %get3A_5 : vector<1x1024x512xbf16> to vector<1024x512xbf16>
    %dot_general3A = arith.constant dense<0.000000e+00> : vector<256x512xf32>
    %dot_general3A_7 = tpu.matmul %convert_element_type3A, %get3A_6, %dot_general3A {dimension_numbers = #tpu.dot_dimension_numbers<[1], [0], [0], [1], [0, 0, 1, 1], [], []>, transpose_lhs_hint = false} : vector<256x1024xbf16>, vector<1024x512xbf16>, vector<256x512xf32> -> vector<256x512xf32>
    %get3A_8 = arith.constant 0 : index
    %get3A_9 = arith.constant 0 : index
    %get3A_10 = arith.constant 0 : index
    %get3A_11 = vector.load %arg5[%get3A_8, %get3A_9, %get3A_10] : memref<1x1024x512xbf16, #tpu.memory_space<vmem>>, vector<1x1024x512xbf16>
    %get3A_12 = vector.shape_cast %get3A_11 : vector<1x1024x512xbf16> to vector<1024x512xbf16>
    %dot_general3A_13 = arith.constant dense<0.000000e+00> : vector<256x512xf32>
    %dot_general3A_14 = tpu.matmul %convert_element_type3A, %get3A_12, %dot_general3A_13 {dimension_numbers = #tpu.dot_dimension_numbers<[1], [0], [0], [1], [0, 0, 1, 1], [], []>, transpose_lhs_hint = false} : vector<256x1024xbf16>, vector<1024x512xbf16>, vector<256x512xf32> -> vector<256x512xf32>
    %logistic3A = arith.negf %dot_general3A_7 : vector<256x512xf32>
    %logistic3A_15 = math.exp %logistic3A : vector<256x512xf32>
    %logistic3A_16 = arith.constant 1.000000e+00 : f32
    %logistic3A_17 = vector.broadcast %logistic3A_16 : f32 to vector<256x512xf32>
    %logistic3A_18 = arith.addf %logistic3A_17, %logistic3A_15 : vector<256x512xf32>
    %logistic3A_19 = arith.divf %logistic3A_17, %logistic3A_18 : vector<256x512xf32>
    %mul3A = arith.mulf %dot_general3A_7, %logistic3A_19 : vector<256x512xf32>
    %mul3A_20 = arith.mulf %mul3A, %dot_general3A_14 : vector<256x512xf32>
    %get3A_21 = arith.constant 0 : index
    %get3A_22 = arith.constant 0 : index
    %get3A_23 = vector.load %arg3[%get3A_21, %get3A_22] : memref<256x1xf32, #tpu.memory_space<vmem>>, vector<256x1xf32>
    %mul3A_24 = vector.broadcast %get3A_23 : vector<256x1xf32> to vector<256x512xf32>
    %mul3A_25 = arith.mulf %mul3A_20, %mul3A_24 : vector<256x512xf32>
    %convert_element_type3A_26 = arith.truncf %mul3A_25 : vector<256x512xf32> to vector<256x512xbf16>
    %get3A_27 = arith.constant 0 : index
    %get3A_28 = arith.constant 0 : index
    %get3A_29 = arith.constant 0 : index
    %get3A_30 = vector.load %arg6[%get3A_27, %get3A_28, %get3A_29] : memref<1x512x1024xbf16, #tpu.memory_space<vmem>>, vector<1x512x1024xbf16>
    %get3A_31 = vector.shape_cast %get3A_30 : vector<1x512x1024xbf16> to vector<512x1024xbf16>
    %dot_general3A_32 = arith.constant dense<0.000000e+00> : vector<256x1024xf32>
    %dot_general3A_33 = tpu.matmul %convert_element_type3A_26, %get3A_31, %dot_general3A_32 {dimension_numbers = #tpu.dot_dimension_numbers<[1], [0], [0], [1], [0, 0, 1, 1], [], []>, transpose_lhs_hint = false} : vector<256x512xbf16>, vector<512x1024xbf16>, vector<256x1024xf32> -> vector<256x1024xf32>
    %swap3A = arith.constant 0 : index
    %swap3A_34 = arith.constant 0 : index
    %swap3A_35 = vector.load %arg7[%swap3A, %swap3A_34] : memref<256x1024xf32, #tpu.memory_space<vmem>>, vector<256x1024xf32>
    tpu.vector_store %arg7[%swap3A, %swap3A_34], %dot_general3A_33 {strides = array<i32>} : memref<256x1024xf32, #tpu.memory_space<vmem>>, vector<256x1024xf32>,
    return
  }
  func.func @transform_0(%arg0: i32, %arg1: memref<24xi32, #tpu.memory_space<smem>>) -> (i32, i32) {
    %c0_i32 = arith.constant 0 : i32
    %c0_i32_0 = arith.constant 0 : i32
    return %arg0, %c0_i32 : i32, i32
  }
  func.func @transform_1(%arg0: i32, %arg1: memref<24xi32, #tpu.memory_space<smem>>) -> (i32, i32) {
    %c0_i32 = arith.constant 0 : i32
    %c0_i32_0 = arith.constant 0 : i32
    return %arg0, %c0_i32 : i32, i32
  }
  func.func @transform_2(%arg0: i32, %arg1: memref<24xi32, #tpu.memory_space<smem>>) -> (i32, i32, i32) {
    %get3A = arith.index_cast %arg0 : i32 to index
    %get3A_0 = memref.load %arg1[%get3A] : memref<24xi32, #tpu.memory_space<smem>>
    %c0_i32 = arith.constant 0 : i32
    %c0_i32_1 = arith.constant 0 : i32
    %c0_i32_2 = arith.constant 0 : i32
    return %get3A_0, %c0_i32, %c0_i32_1 : i32, i32, i32
  }
  func.func @transform_3(%arg0: i32, %arg1: memref<24xi32, #tpu.memory_space<smem>>) -> (i32, i32, i32) {
    %get3A = arith.index_cast %arg0 : i32 to index
    %get3A_0 = memref.load %arg1[%get3A] : memref<24xi32, #tpu.memory_space<smem>>
    %c0_i32 = arith.constant 0 : i32
    %c0_i32_1 = arith.constant 0 : i32
    %c0_i32_2 = arith.constant 0 : i32
    return %get3A_0, %c0_i32, %c0_i32_1 : i32, i32, i32
  }
  func.func @transform_4(%arg0: i32, %arg1: memref<24xi32, #tpu.memory_space<smem>>) -> (i32, i32, i32) {
    %get3A = arith.index_cast %arg0 : i32 to index
    %get3A_0 = memref.load %arg1[%get3A] : memref<24xi32, #tpu.memory_space<smem>>
    %c0_i32 = arith.constant 0 : i32
    %c0_i32_1 = arith.constant 0 : i32
    %c0_i32_2 = arith.constant 0 : i32
    return %get3A_0, %c0_i32, %c0_i32_1 : i32, i32, i32
  }
  func.func @transform_5(%arg0: i32, %arg1: memref<24xi32, #tpu.memory_space<smem>>) -> (i32, i32) {
    %c0_i32 = arith.constant 0 : i32
    %c0_i32_0 = arith.constant 0 : i32
    return %arg0, %c0_i32 : i32, i32
  }
}

module attributes {stable_mosaic.version = 14 : i64} {
  func.func @_add_kernel(%arg0: i32, %arg1: memref<256x1024xf32, #tpu.memory_space<vmem>>, %arg2: memref<256x1024xf32, #tpu.memory_space<vmem>>, %arg3: memref<256x1024xf32, #tpu.memory_space<vmem>>) attributes {dimension_semantics = [#tpu.dimension_semantics<arbitrary>], iteration_bounds = array<i64: 8>, scalar_prefetch = 0 : i64, scratch_operands = 0 : i64, tpu.core_type = #tpu.core_type<tc>, window_params = [{transform_indices = @transform_0, window_bounds = array<i64: 256, 1024>}, {transform_indices = @transform_1, window_bounds = array<i64: 256, 1024>}, {transform_indices = @transform_2, window_bounds = array<i64: 256, 1024>}]} {
    %get3A = arith.constant 0 : index
    %get3A_0 = arith.constant 0 : index
    %get3A_1 = vector.load %arg1[%get3A, %get3A_0] : memref<256x1024xf32, #tpu.memory_space<vmem>>, vector<256x1024xf32>
    %get3A_2 = arith.constant 0 : index
    %get3A_3 = arith.constant 0 : index
    %get3A_4 = vector.load %arg2[%get3A_2, %get3A_3] : memref<256x1024xf32, #tpu.memory_space<vmem>>, vector<256x1024xf32>
    %add3A = arith.addf %get3A_1, %get3A_4 : vector<256x1024xf32>
    %swap3A = arith.constant 0 : index
    %swap3A_5 = arith.constant 0 : index
    %swap3A_6 = vector.load %arg3[%swap3A, %swap3A_5] : memref<256x1024xf32, #tpu.memory_space<vmem>>, vector<256x1024xf32>
    tpu.vector_store %arg3[%swap3A, %swap3A_5], %add3A {strides = array<i32>} : memref<256x1024xf32, #tpu.memory_space<vmem>>, vector<256x1024xf32>,
    return
  }
  func.func @transform_0(%arg0: i32) -> (i32, i32) {
    %c0_i32 = arith.constant 0 : i32
    %c0_i32_0 = arith.constant 0 : i32
    return %arg0, %c0_i32 : i32, i32
  }
  func.func @transform_1(%arg0: i32) -> (i32, i32) {
    %add3A = arith.constant 8 : i32
    %add3A_0 = arith.addi %add3A, %arg0 : i32
    %c0_i32 = arith.constant 0 : i32
    %c0_i32_1 = arith.constant 0 : i32
    return %add3A_0, %c0_i32 : i32, i32
  }
  func.func @transform_2(%arg0: i32) -> (i32, i32) {
    %c0_i32 = arith.constant 0 : i32
    %c0_i32_0 = arith.constant 0 : i32
    return %arg0, %c0_i32 : i32, i32
  }
}

</mosaic_0001>

<sc_bundles>
// kernel: kernel.11.cloned.1.call-start
scs
__scs_entry_jumppad:
0x0: {  	(pc) =	sbr.rel $0x88, $3  }
0x1: {  	(tag) =	ssettag $0x0;
	lr =	simm.s32 $0x1  }
0x2: {  	[smem:$0x3F9C] =	sst lr;
	_ =	strace $0xD0000000  }
0x3: {  	_ = 	snop  }
0x4: {  	_ = 	snop  }
0x5: {  	_ = 	snop  }
0x6: {  	_ = 	snop  }
0x7: {  	_ = 	snop  }
__scs_overlays_trampoline_lowered:
0x8: {  	[smem:$0x3FAB] =	sst s0  }
0x9: {  	[smem:$0x3FAC] =	sst s1  }
0xa: {  	[smem:$0x3FAD] =	sst s2  }
0xb: {  	[smem:$0x3FAE] =	sst s3  }
0xc: {  	[smem:$0x3FAF] =	sst s4  }
0xd: {  	[smem:$0x3FB0] =	sst s5  }
0xe: {  	[smem:$0x3FB1] =	sst s6  }
0xf: {  	[smem:$0x3FB2] =	sst s7  }
0x10: {  	[smem:$0x3FB3] =	sst s8  }
0x11: {  	[smem:$0x3FB4] =	sst s9;
	s0 =	simm.s32 @!p0 $0x0  }
0x12: {  	s1 =	sld [smem:$0x3F9A];
	s0 =	simm.s32 @p0 $0x1  }
0x13: {  	[smem:$0x3FB5] =	sst s0;
	s0 =	simm.s32 @!p1 $0x0  }
0x14: {  	s2 =	sld [smem:$0x3F99];
	s0 =	simm.s32 @p1 $0x1  }
0x15: {  	[smem:$0x3FB6] =	sst s0;
	s0 =	simm.s32 @!p2 $0x0  }
0x16: {  	s3 =	sld [smem:$0x3FDB];
	s0 =	simm.s32 @p2 $0x1  }
0x17: {  	s4 =	simm.s32 $0x1BF5;
	[smem:$0x3FB8] =	sst s0  }
0x18: {  	s0 =	sld [smem:$0x3F9B];
	_ =	swait.ge [sflag:s4], $0x0  }
0x19: {  	s7 =	sld [smem:$0x3F9C]  }
0x1a: {  	s8 =	sadd.s32 $0xFFFFE003, lr  }
0x1b: {  	s9 =	sadd.s32 $0xFFFFFEF7, lr;
	s5 =	simm.s32 $0xFFFFFFFF;
	p2 =	slt.u32 s8, $0xFFFFF086  }
0x1c: {  	p1 =	slt.u32 s9, $0xF7A;
	s5 =	simm.s32 @!p2 $0x0  }
0x1d: {  	s5 =	simm.s32 @p1 $0x1;
	p0 =	seq.s32 s7, s2  }
0x1e: {  	s7 =	smul.u32 @!p0 $0xF7A, s2;
	p2 =	seq.s32 @!p0 s5, $0x0  }
0x1f: {  	s9 =	smul.u32 $0xF7A, s1;
	s8 =	simm.s32 @!p0 $0x1BF5;
	p2 =	por !p2, p0  }
0x20: {  	[sflag:s8] =	ssyncset.s32 @!p0 $0xFFFFF086;
	s6 =	sadd.s32 @!p0 s3, s7;
	s7 =	simm.s32 @!p0 $0x108  }
0x21: {  	s3 =	sadd.s32 s3, s9;
	s6 =	sadd.s32 @!p0 $0x88, s6;
	s7 =	simm.s32 @p2 $0x1082  }
0x22: {  	[simem:s7], [sflag:s8] =	dma.local @!p0 [hbm:s6], $0xF7A  }
0x23: {  	s9 =	sor.u32 $0xD0000000, s2;
	s6 =	simm.s32 $0x108;
	_ =	swait.ge @!p0 [sflag:s8], $0x0  }
0x24: {  	s3 =	sadd.s32 $0x88, s3;
	s6 =	simm.s32 @!p1 $0x1082;
	[sflag:s4] =	ssyncset.s32 $0xFFFFF086  }
0x25: {  	[simem:s6], [sflag:s4] =	dma.local [hbm:s3], $0xF7A  }
0x26: {  	[smem:$0x3F9C] =	sst s1;
	(tag) =	ssettag s2;
	_ =	strace s9  }
0x27: {  	s1 =	sld [smem:$0x3FAC]  }
0x28: {  	s2 =	sld [smem:$0x3FAD]  }
0x29: {  	s4 =	sld [smem:$0x3FAF]  }
0x2a: {  	p0 =	seq.s32 s5, $0x0;
	s5 =	sld [smem:$0x3FB0]  }
0x2b: {  	s6 =	sld [smem:$0x3FB1]  }
0x2c: {  	s7 =	sld [smem:$0x3FB2]  }
0x2d: {  	s3 =	simm.s32 $0x108;
	s8 =	sld [smem:$0x3FB3]  }
0x2e: {  	s3 =	simm.s32 @!p0 $0x1082;
	s9 =	sld [smem:$0x3FB4]  }
0x2f: {  	lr =	sadd.s32 s0, s3;
	s0 =	sld [smem:$0x3FAB]  }
0x30: {  	s3 =	sld [smem:$0x3FAE]  }
0x31: {  	[smem:$0x3FB7] =	sst s10  }
0x32: {  	s10 =	sld [smem:$0x3FB5];
	_ =	sdelay $0x3  }
0x33: {  	p0 =	seq.s32 s10, $0x1;
	s10 =	sld [smem:$0x3FB7];
	_ =	sdelay $0x3  }
0x34: {  	[smem:$0x3FB7] =	sst s10  }
0x35: {  	s10 =	sld [smem:$0x3FB6];
	_ =	sdelay $0x3  }
0x36: {  	p1 =	seq.s32 s10, $0x1;
	s10 =	sld [smem:$0x3FB7];
	_ =	sdelay $0x3  }
0x37: {  	[smem:$0x3FB7] =	sst s10  }
0x38: {  	s10 =	sld [smem:$0x3FB8]  }
0x39: {  	_ = 	snop;
	(pc) =	sbr.ind lr, $3  }
0x3a: {  	_ = 	snop  }
0x3b: {  	_ = 	snop  }
0x3c: {  	p2 =	seq.s32 s10, $0x1;
	s10 =	sld [smem:$0x3FB7]  }
0x3d: {  	_ =	shalt  }
0x3e: {  	_ =	shalt  }
0x3f: {  	_ =	shalt  }
0x40: {  	_ =	shalt  }
0x41: {  	_ =	shalt  }
0x42: {  	_ =	shalt  }
0x43: {  	_ =	shalt  }
0x44: {  	_ =	shalt  }
0x45: {  	_ =	shalt  }
0x46: {  	_ =	shalt  }
0x47: {  	_ =	shalt  }
0x48: {  	_ =	shalt  }
0x49: {  	_ =	shalt  }
0x4a: {  	_ =	shalt  }
0x4b: {  	_ =	shalt  }
0x4c: {  	_ =	shalt  }
0x4d: {  	_ =	shalt  }
0x4e: {  	_ =	shalt  }
0x4f: {  	_ =	shalt  }
0x50: {  	_ =	shalt  }
0x51: {  	_ =	shalt  }
0x52: {  	_ =	shalt  }
0x53: {  	_ =	shalt  }
0x54: {  	_ =	shalt  }
0x55: {  	_ =	shalt  }
0x56: {  	_ =	shalt  }
0x57: {  	_ =	shalt  }
0x58: {  	_ =	shalt  }
0x59: {  	_ =	shalt  }
0x5a: {  	_ =	shalt  }
0x5b: {  	_ =	shalt  }
0x5c: {  	_ =	shalt  }
0x5d: {  	_ =	shalt  }
0x5e: {  	_ =	shalt  }
0x5f: {  	_ =	shalt  }
0x60: {  	_ =	shalt  }
0x61: {  	_ =	shalt  }
0x62: {  	_ =	shalt  }
0x63: {  	_ =	shalt  }
0x64: {  	_ =	shalt  }
0x65: {  	_ =	shalt  }
0x66: {  	_ =	shalt  }
0x67: {  	_ =	shalt  }
0x68: {  	_ =	shalt  }
0x69: {  	_ =	shalt  }
0x6a: {  	_ =	shalt  }
0x6b: {  	_ =	shalt  }
0x6c: {  	_ =	shalt  }
0x6d: {  	_ =	shalt  }
0x6e: {  	_ =	shalt  }
0x6f: {  	_ =	shalt  }
0x70: {  	_ =	shalt  }
0x71: {  	_ =	shalt  }
0x72: {  	_ =	shalt  }
0x73: {  	_ =	shalt  }
0x74: {  	_ =	shalt  }
0x75: {  	_ =	shalt  }
0x76: {  	_ =	shalt  }
0x77: {  	_ =	shalt  }
0x78: {  	_ =	shalt  }
0x79: {  	_ =	shalt  }
0x7a: {  	_ =	shalt  }
0x7b: {  	_ =	shalt  }
0x7c: {  	_ =	shalt  }
0x7d: {  	_ =	shalt  }
0x7e: {  	_ =	shalt  }
0x7f: {  	_ =	shalt  }
0x80: {  	_ =	shalt  }
0x81: {  	_ =	shalt  }
0x82: {  	_ =	shalt  }
0x83: {  	_ =	shalt  }
0x84: {  	_ =	shalt  }
0x85: {  	_ =	shalt  }
0x86: {  	_ =	shalt  }
0x87: {  	_ =	shalt  }
.Lfunc_end0:
.L_simem_size_0:
called_computation.1_lowered:
.L_overlay_start_0:
0x88: {  	s2 =	sld [smem:$0x3FD9]  }
0x89: {  	s3 =	sld [smem:$0x3FFE];
	_ =	sdelay $0x1  }
0x8a: {  	s1 =	srdreg.scid  }
0x8b: {  	s0 =	sand.u32 $0x1, s1  }
0x8c: {  	s16 =	sshll.u32 s0, $0xA;
	s2 =	sadd.s32 s3, s2  }
0x8d: {  	s2 =	sadd.s32 s2, s16  }
0x8e: {  	[smem:$0x3FC3] =	sst s2  }
0x8f: {  	_ = 	snop  }
0x90: {  	(tm) =	ssettm $0x1  }
0x91: {  	s17 =	sld [smem:$0x3FFB];
	_ =	sdelay $0x3  }
0x92: {  	_ =	strace s17  }
0x93: {  	s2 =	sld [smem:$0x3FFC];
	_ =	sdelay $0x3  }
0x94: {  	_ =	strace s2  }
0x95: {  	s2 =	sld [smem:$0x3FFD];
	_ =	sdelay $0x3  }
0x96: {  	_ =	strace s2  }
0x97: {  	_ =	strace $0x8FFFFFFF  }
0x98: {  	s18 =	sld [smem:$0x3FDB];
	_ =	sdelay $0x1  }
0x99: {  	s19 =	simm.s32 $_scs_section_size  }
0x9a: {  	s4 =	simm.s32 $_size__tile_overlayer_lowered;
	s5 =	simm.s32 $_tile_overlayer_lowered  }
0x9b: {  	s22 =	simm.s32 $0x1BFF;
	s21 =	sshll.u32 s5, $0x1;
	s2 =	sadd.s32 s19, s18  }
0x9c: {  	s6 =	simm.s32 $0x0;
	s20 =	sshll.u32 s4, $0x1;
	s4 =	sadd.s32 s21, s2  }
0x9d: {  	[timem:s6], [sflag:s22] =	dma.local [hbm:s4], s20  }
0x9e: {  	_ =	swait.ge [sflag:s22], s20  }
0x9f: {  	s3 =	ssub.s32 $0x0, s20;
	[sflag:s22] =	ssyncset.done $0x0  }
0xa0: {  	[sflag:s22] =	ssyncadd.s32 s3;
	_ =	sdelay $0x1  }
0xa1: {  	s23 =	simm.s32 $0x1B8B  }
0xa2: {  	_ =	swait.ge [sflag:s23], $0x1  }
0xa3: {  	[sflag:s23] =	ssyncset.done $0x0  }
0xa4: {  	s25 =	simm.s32 $0x1B8E;
	s24 =	sld [smem:$0x3FFE];
	[sflag:s23] =	ssyncadd.s32 $0xFFFFFFFF  }
0xa5: {  	s26 =	simm.s32 $execute0_lowered;
	[smem:$0x3FD2] =	sst s25  }
0xa6: {  	s4 =	sshll.u32 s26, $0x1;
	_ =	strace $0x80000049;
	[dreg:$0x1] =	wrdreg $0xFFFFFFFF  }
0xa7: {  	s28 =	simm.s32 $_size_execute0_lowered;
	s2 =	sadd.s32 s2, s4;
	[dreg:$0x0] =	wrdreg $0x0  }
0xa8: {  	s4 =	sshll.u32 s28, $0x1;
	[dreg:$0x2] =	wrdreg s2  }
0xa9: {  	[dreg:$0x3] =	wrdreg s4  }
0xaa: {  	[dreg:$0x4] =	wrdreg $0xC0  }
0xab: {  	_ =	task [dreg:s6], $0x5FFFF  }
0xac: {  	[dreg:$0x1] =	wrdreg $0xFFFFFFFF  }
0xad: {  	[dreg:$0x0] =	wrdreg $0x60  }
0xae: {  	[dreg:$0x2] =	wrdreg s24  }
0xaf: {  	[dreg:$0x3] =	wrdreg $0x9  }
0xb0: {  	_ =	task.clear_ibuf [dreg:s6], $0x4FFFF;
	_ =	strace $0x90000049  }
0xb1: {  	s29 =	simm.s32 $0x9;
	_ =	strace $0x8000004B  }
0xb2: {  	_ =	swait.ge [sflag:s29], $0x1  }
0xb3: {  	[sflag:s29] =	ssyncadd.s32 $0xFFFFFFFF  }
0xb4: {  	_ =	strace $0x9000004B  }
0xb5: {  	_ =	sfence  }
0xb6: {  	s30 =	sld [smem:$0x0];
	_ =	sdelay $0x2  }
0xb7: {  	s31 =	sshll.u32 s1, $0xD;
	s1 =	sshrl.u32 s1, $0x2  }
0xb8: {  	s3 =	sand.u32 $0x4000, s31;
	s1 =	sadd.s32 s1, s30  }
0xb9: {  	s0 =	sor.u32 s3, s0;
	s1 =	sshll.u32 s1, $0x11  }
0xba: {  	s0 =	sor.u32 s1, s0  }
0xbb: {  	s0 =	sadd.s32 $0x8F2B, s0  }
0xbc: {  	[sflag:s0] =	ssyncadd.remote.s32 $0x1  }
0xbd: {  	_ =	sfence.sel $0xFFFF  }
0xbe: {  	[dreg:$0x0] =	wrdreg $0xFFFFFFFF;
	(pc) =	sbr.abs _section_cstart, $3  }
0xbf: {  	[dreg:$0x1] =	wrdreg $0xFFFFFFFF  }
0xc0: {  	_ =	task.clear_ibuf [dreg:s6], $0x2FFFF;
	_ =	strace $0x9FFFFFFF  }
0xc1: {  	(tm) =	ssettm $0x7FFFFFFF  }
tec
execute0_lowered:
.L_overlay_start_1:
0x0: {  	(tag) =	ssettag $0x1  }
0x1: {  	s0 =	rddreg [dreg:$0x0];
	s2 =	simm.s32 $0x0;
	s1 =	srdreg.scid  }
0x2: {  	s3 =	stileid.u32;
	s26 =	simm.s32 $0x40;
	s28 =	simm.s32 $0x80  }
0x3: {  	s29 =	simm.s32 $0x3080;
	s30 =	simm.s32 $0x3880;
	s31 =	simm.s32 $0x4080  }
0x4: {  	s11 =	simm.s32 $0x5880;
	s12 =	simm.s32 $0x6080;
	s13 =	simm.s32 $0x6880  }
0x5: {  	s14 =	simm.s32 $0x7080;
	s15 =	simm.s32 $0x8880;
	s16 =	simm.s32 $0x9080  }
0x6: {  	s17 =	simm.s32 $0x9880;
	s18 =	simm.s32 $0xA080;
	s10 =	simm.s32 $0xB080  }
0x7: {  	[smem:$0x7FF] =	sst s2;
	s1 =	sand.u32 $0x1, s1;
	s4 =	sshll.u32 s3, $0x7  }
0x8: {  	s3 =	sadd.s32 $0xC1400, s0;
	s6 =	sadd.s32 $0x600, s0;
	s19 =	sadd.s32 $0x800, s0  }
0x9: {  	_ =	strace $0x8000004A;
	s5 =	sshll.u32 s1, $0x6;
	s1 =	ssub.s32 $0x2, s1  }
0xa: {  	[dreg:$0x7] =	wrdreg s26;
	s26 =	simm.s32 $0x1;
	s4 =	sor.u32 s5, s4  }
0xb: {  	s8 =	sshrl.u32 s1, $0x1;
	s5 =	sadd.s32 $0xC1500, s0;
	s7 =	sshrl.u32 s4, $0x3  }
0xc: {  	s9 =	sor.u32 $0x800, s4;
	s1 =	ssub.s32 s1, s8;
	s4 =	sshll.u32 s4, $0x7  }
0xd: {  	s7 =	sadd.s32 s6, s7;
	s20 =	sshrl.u32 s9, $0x3;
	s21 =	sshll.u32 s9, $0x7  }
0xe: {  	s22 =	sadd.s32 s19, s4;
	s8 =	smax.u32 s1, $0x1;
	[dreg:$0x2] =	wrdreg s7  }
0xf: {  	s9 =	simm.s32 $0x2;
	s6 =	sadd.s32 s6, s20;
	[dreg:$0x8] =	wrdreg s22  }
0x10: {  	s4 =	simm.s32 $0x7880;
	s23 =	sadd.s32 s19, s21;
	[dreg:$0x3] =	wrdreg s6  }
0x11: {  	s24 =	sadd.s32 $0x1000, s22;
	s25 =	sadd.s32 $0x41000, s22;
	[dreg:$0x4] =	wrdreg s23  }
0x12: {  	v2 =	vlaneseq.u32;
	s7 =	sadd.s32 $0xC1700, s0;
	s22 =	simm.s32 $0x1080;
	[dreg:$0x5] =	wrdreg s24  }
0x13: {  	vm0 =	vmmov $0xffff;
	v1 =	vshrl.u32 v2, $0x3;
	s19 =	simm.s32 $0xA880;
	s6 =	sadd.s32 $0xC1600, s0;
	[dreg:$0x6] =	wrdreg s25  }
0x14: {  	v0 =	vand.u32 $0x7, v2;
	v2 =	vor.u32 $0x8, v2;
	v1 =	vmul.u32 $0x8, v1;
	s23 =	simm.s32 $0x1880;
	s24 =	simm.s32 $0x2080;
	s25 =	simm.s32 $0x2880  }
.LBB2_1:
0x15: {  	s20 =	rddreg [dreg:$0x2]  }
0x16: {  	[tilespmem:s2], [sflag:$0x2] =	stream.linear.gather [hbm4b:s20+s2], $0x40, $0x38;
	[tilespmem:$0x10080] =	vst v63  }
0x17: {  	_ =	swait.ge [sflag:s9], $0x40  }
0x18: {  	s1 =	rddreg [dreg:$0x3];
	[sflag:s9] =	ssyncset.done $0x0  }
0x19: {  	s21 =	rddreg [dreg:$0x7];
	[sflag:s9] =	ssyncadd.s32 $0xFFFFFFC0  }
0x1a: {  	[tilespmem:s21], [sflag:$0x2] =	stream.linear.gather [hbm4b:s1+s2], $0x40, $0x38;
	[tilespmem:$0x10080] =	vst v63  }
0x1b: {  	_ =	swait.ge [sflag:s9], $0x40  }
0x1c: {  	[sflag:s9] =	ssyncset.done $0x0  }
0x1d: {  	[sflag:s9] =	ssyncadd.s32 $0xFFFFFFC0  }
0x1e: {  	v3 =	vld [tilespmem:$0x0];
	_ =	sdelay $0x4  }
0x1f: {  	v4 =	vshll.u32 v3, $0x3  }
0x20: {  	v3 =	vand.u32 $0x7, v3;
	v4 =	vand.u32 $0xFFFFFFC0, v4  }
0x21: {  	v3 =	vor.u32 v3, v4  }
0x22: {  	v4 =	vperm.xlane v3, v0;
	_ =	sdelay $0x1  }
0x23: {  	v4 =	vadd.s32 v1, v4;
	_ =	sdelay $0x4  }
0x24: {  	[tilespmem:s28], [sflag:$0x1] =	stream.indirect_vreg.gather [hbm4b:s3+s2], $0x80, v4, vm0, $0xb8;
	[tilespmem:$0x10080] =	vst v63  }
0x25: {  	s21 =	simm.s32 $0x880;
	v3 =	vperm.xlane v3, v2  }
0x26: {  	[tilespmem:s21], [sflag:$0x1] =	stream.indirect_vreg.gather [hbm4b:s5+s2], $0x80, v4, vm0, $0xb8;
	[tilespmem:$0x10080] =	vst v63  }
0x27: {  	v3 =	vadd.s32 v1, v3  }
0x28: {  	[tilespmem:s22], [sflag:$0x1] =	stream.indirect_vreg.gather [hbm4b:s6+s2], $0x80, v4, vm0, $0xb8;
	[tilespmem:$0x10080] =	vst v63  }
0x29: {  	_ = 	snop  }
0x2a: {  	[tilespmem:s23], [sflag:$0x1] =	stream.indirect_vreg.gather [hbm4b:s7+s2], $0x80, v4, vm0, $0xb8;
	[tilespmem:$0x10080] =	vst v63  }
0x2b: {  	_ = 	snop  }
0x2c: {  	[tilespmem:s24], [sflag:$0x1] =	stream.indirect_vreg.gather [hbm4b:s3+s2], $0x80, v3, vm0, $0xb8;
	[tilespmem:$0x10080] =	vst v63  }
0x2d: {  	_ = 	snop  }
0x2e: {  	[tilespmem:s25], [sflag:$0x1] =	stream.indirect_vreg.gather [hbm4b:s5+s2], $0x80, v3, vm0, $0xb8;
	[tilespmem:$0x10080] =	vst v63  }
0x2f: {  	_ = 	snop  }
0x30: {  	[tilespmem:s29], [sflag:$0x1] =	stream.indirect_vreg.gather [hbm4b:s6+s2], $0x80, v3, vm0, $0xb8;
	[tilespmem:$0x10080] =	vst v63  }
0x31: {  	_ = 	snop  }
0x32: {  	[tilespmem:s30], [sflag:$0x1] =	stream.indirect_vreg.gather [hbm4b:s7+s2], $0x80, v3, vm0, $0xb8;
	[tilespmem:$0x10080] =	vst v63  }
0x33: {  	v3 =	vld [tilespmem:$0x10];
	_ =	sdelay $0x4  }
0x34: {  	v57 =	vshll.u32 v3, $0x3  }
0x35: {  	v3 =	vand.u32 $0x7, v3;
	v4 =	vand.u32 $0xFFFFFFC0, v57  }
0x36: {  	v3 =	vor.u32 v3, v4  }
0x37: {  	v4 =	vperm.xlane v3, v0;
	_ =	sdelay $0x1  }
0x38: {  	v4 =	vadd.s32 v1, v4;
	_ =	sdelay $0x4  }
0x39: {  	[tilespmem:s31], [sflag:$0x1] =	stream.indirect_vreg.gather [hbm4b:s3+s2], $0x80, v4, vm0, $0xb8;
	[tilespmem:$0x10080] =	vst v63  }
0x3a: {  	s0 =	simm.s32 $0x4880;
	v3 =	vperm.xlane v3, v2  }
0x3b: {  	[tilespmem:s0], [sflag:$0x1] =	stream.indirect_vreg.gather [hbm4b:s5+s2], $0x80, v4, vm0, $0xb8;
	[tilespmem:$0x10080] =	vst v63  }
0x3c: {  	s1 =	simm.s32 $0x5080;
	v3 =	vadd.s32 v1, v3  }
0x3d: {  	[tilespmem:s1], [sflag:$0x1] =	stream.indirect_vreg.gather [hbm4b:s6+s2], $0x80, v4, vm0, $0xb8;
	[tilespmem:$0x10080] =	vst v63  }
0x3e: {  	_ = 	snop  }
0x3f: {  	[tilespmem:s11], [sflag:$0x1] =	stream.indirect_vreg.gather [hbm4b:s7+s2], $0x80, v4, vm0, $0xb8;
	[tilespmem:$0x10080] =	vst v63  }
0x40: {  	_ = 	snop  }
0x41: {  	[tilespmem:s12], [sflag:$0x1] =	stream.indirect_vreg.gather [hbm4b:s3+s2], $0x80, v3, vm0, $0xb8;
	[tilespmem:$0x10080] =	vst v63  }
0x42: {  	_ = 	snop  }
0x43: {  	[tilespmem:s13], [sflag:$0x1] =	stream.indirect_vreg.gather [hbm4b:s5+s2], $0x80, v3, vm0, $0xb8;
	[tilespmem:$0x10080] =	vst v63  }
0x44: {  	_ = 	snop  }
0x45: {  	[tilespmem:s14], [sflag:$0x1] =	stream.indirect_vreg.gather [hbm4b:s6+s2], $0x80, v3, vm0, $0xb8;
	[tilespmem:$0x10080] =	vst v63  }
0x46: {  	_ = 	snop  }
0x47: {  	[tilespmem:s4], [sflag:$0x1] =	stream.indirect_vreg.gather [hbm4b:s7+s2], $0x80, v3, vm0, $0xb8;
	[tilespmem:$0x10080] =	vst v63  }
0x48: {  	_ =	swait.ge [sflag:s26], $0x8000  }
0x49: {  	[sflag:s26] =	ssyncset.done $0x0  }
0x4a: {  	[sflag:s26] =	ssyncadd.s32 $0xFFFF8000  }
0x4b: {  	v3 =	vld [tilespmem:$0x40];
	_ =	sdelay $0x4  }
0x4c: {  	v58 =	vshll.u32 v3, $0x3  }
0x4d: {  	v3 =	vand.u32 $0x7, v3;
	v4 =	vand.u32 $0xFFFFFFC0, v58  }
0x4e: {  	v3 =	vor.u32 v3, v4  }
0x4f: {  	v4 =	vperm.xlane v3, v0;
	_ =	sdelay $0x1  }
0x50: {  	v4 =	vadd.s32 v1, v4;
	_ =	sdelay $0x3  }
0x51: {  	s0 =	simm.s32 $0x8080  }
0x52: {  	[tilespmem:s0], [sflag:$0x1] =	stream.indirect_vreg.gather [hbm4b:s3+s2], $0x80, v4, vm0, $0xb8;
	[tilespmem:$0x10080] =	vst v63  }
0x53: {  	v3 =	vperm.xlane v3, v2  }
0x54: {  	[tilespmem:s15], [sflag:$0x1] =	stream.indirect_vreg.gather [hbm4b:s5+s2], $0x80, v4, vm0, $0xb8;
	[tilespmem:$0x10080] =	vst v63  }
0x55: {  	v3 =	vadd.s32 v1, v3  }
0x56: {  	[tilespmem:s16], [sflag:$0x1] =	stream.indirect_vreg.gather [hbm4b:s6+s2], $0x80, v4, vm0, $0xb8;
	[tilespmem:$0x10080] =	vst v63  }
0x57: {  	_ = 	snop  }
0x58: {  	[tilespmem:s17], [sflag:$0x1] =	stream.indirect_vreg.gather [hbm4b:s7+s2], $0x80, v4, vm0, $0xb8;
	[tilespmem:$0x10080] =	vst v63  }
0x59: {  	_ = 	snop  }
0x5a: {  	[tilespmem:s18], [sflag:$0x1] =	stream.indirect_vreg.gather [hbm4b:s3+s2], $0x80, v3, vm0, $0xb8;
	[tilespmem:$0x10080] =	vst v63  }
0x5b: {  	_ = 	snop  }
0x5c: {  	[tilespmem:s19], [sflag:$0x1] =	stream.indirect_vreg.gather [hbm4b:s5+s2], $0x80, v3, vm0, $0xb8;
	[tilespmem:$0x10080] =	vst v63  }
0x5d: {  	_ = 	snop  }
0x5e: {  	[tilespmem:s10], [sflag:$0x1] =	stream.indirect_vreg.gather [hbm4b:s6+s2], $0x80, v3, vm0, $0xb8;
	[tilespmem:$0x10080] =	vst v63  }
0x5f: {  	s20 =	simm.s32 $0xB880  }
0x60: {  	[tilespmem:s20], [sflag:$0x1] =	stream.indirect_vreg.gather [hbm4b:s7+s2], $0x80, v3, vm0, $0xb8;
	[tilespmem:$0x10080] =	vst v63  }
0x61: {  	v3 =	vld [tilespmem:$0x50];
	_ =	sdelay $0x4  }
0x62: {  	v59 =	vshll.u32 v3, $0x3  }
0x63: {  	v3 =	vand.u32 $0x7, v3;
	v4 =	vand.u32 $0xFFFFFFC0, v59  }
0x64: {  	v3 =	vor.u32 v3, v4  }
0x65: {  	v4 =	vperm.xlane v3, v0;
	_ =	sdelay $0x1  }
0x66: {  	v4 =	vadd.s32 v1, v4;
	_ =	sdelay $0x3  }
0x67: {  	s20 =	simm.s32 $0xC080  }
0x68: {  	[tilespmem:s20], [sflag:$0x1] =	stream.indirect_vreg.gather [hbm4b:s3+s2], $0x80, v4, vm0, $0xb8;
	[tilespmem:$0x10080] =	vst v63  }
0x69: {  	v3 =	vperm.xlane v3, v2;
	s20 =	simm.s32 $0xC880  }
0x6a: {  	[tilespmem:s20], [sflag:$0x1] =	stream.indirect_vreg.gather [hbm4b:s5+s2], $0x80, v4, vm0, $0xb8;
	[tilespmem:$0x10080] =	vst v63  }
0x6b: {  	v3 =	vadd.s32 v1, v3;
	s20 =	simm.s32 $0xD080  }
0x6c: {  	[tilespmem:s20], [sflag:$0x1] =	stream.indirect_vreg.gather [hbm4b:s6+s2], $0x80, v4, vm0, $0xb8;
	[tilespmem:$0x10080] =	vst v63  }
0x6d: {  	s20 =	simm.s32 $0xD880  }
0x6e: {  	[tilespmem:s20], [sflag:$0x1] =	stream.indirect_vreg.gather [hbm4b:s7+s2], $0x80, v4, vm0, $0xb8;
	[tilespmem:$0x10080] =	vst v63  }
0x6f: {  	s20 =	simm.s32 $0xE080  }
0x70: {  	[tilespmem:s20], [sflag:$0x1] =	stream.indirect_vreg.gather [hbm4b:s3+s2], $0x80, v3, vm0, $0xb8;
	[tilespmem:$0x10080] =	vst v63  }
0x71: {  	s20 =	simm.s32 $0xE880  }
0x72: {  	[tilespmem:s20], [sflag:$0x1] =	stream.indirect_vreg.gather [hbm4b:s5+s2], $0x80, v3, vm0, $0xb8;
	[tilespmem:$0x10080] =	vst v63  }
0x73: {  	s20 =	simm.s32 $0xF080  }
0x74: {  	[tilespmem:s20], [sflag:$0x1] =	stream.indirect_vreg.gather [hbm4b:s6+s2], $0x80, v3, vm0, $0xb8;
	[tilespmem:$0x10080] =	vst v63  }
0x75: {  	s20 =	simm.s32 $0xF880  }
0x76: {  	[tilespmem:s20], [sflag:$0x1] =	stream.indirect_vreg.gather [hbm4b:s7+s2], $0x80, v3, vm0, $0xb8;
	[tilespmem:$0x10080] =	vst v63  }
0x77: {  	_ =	swait.ge [sflag:s26], $0x8000  }
0x78: {  	[sflag:s26] =	ssyncset.done $0x0  }
0x79: {  	s20 =	rddreg [dreg:$0x8];
	[sflag:s26] =	ssyncadd.s32 $0xFFFF8000  }
0x7a: {  	[hbm4b:s20+s2] =	stream.linear.scatter [tilespmem:s28], [sflag:$0x2], $0x8000, $0x38;
	[tilespmem:$0x10080] =	vst v63  }
0x7b: {  	_ =	swait.ge [sflag:s9], $0x8000  }
0x7c: {  	[sflag:s9] =	ssyncset.done $0x0  }
0x7d: {  	s20 =	rddreg [dreg:$0x4];
	[sflag:s9] =	ssyncadd.s32 $0xFFFF8000  }
0x7e: {  	[hbm4b:s20+s2] =	stream.linear.scatter [tilespmem:s0], [sflag:$0x2], $0x8000, $0x38;
	[tilespmem:$0x10080] =	vst v63  }
0x7f: {  	_ =	swait.ge [sflag:s9], $0x8000  }
0x80: {  	[sflag:s9] =	ssyncset.done $0x0  }
0x81: {  	[sflag:s9] =	ssyncadd.s32 $0xFFFF8000  }
0x82: {  	v3 =	vld [tilespmem:$0x20];
	_ =	sdelay $0x4  }
0x83: {  	v60 =	vshll.u32 v3, $0x3  }
0x84: {  	v3 =	vand.u32 $0x7, v3;
	v4 =	vand.u32 $0xFFFFFFC0, v60  }
0x85: {  	v3 =	vor.u32 v3, v4  }
0x86: {  	v4 =	vperm.xlane v3, v0;
	_ =	sdelay $0x1  }
0x87: {  	v4 =	vadd.s32 v1, v4;
	_ =	sdelay $0x4  }
0x88: {  	[tilespmem:s28], [sflag:$0x1] =	stream.indirect_vreg.gather [hbm4b:s3+s2], $0x80, v4, vm0, $0xb8;
	[tilespmem:$0x10080] =	vst v63  }
0x89: {  	v3 =	vperm.xlane v3, v2  }
0x8a: {  	[tilespmem:s21], [sflag:$0x1] =	stream.indirect_vreg.gather [hbm4b:s5+s2], $0x80, v4, vm0, $0xb8;
	[tilespmem:$0x10080] =	vst v63  }
0x8b: {  	v3 =	vadd.s32 v1, v3  }
0x8c: {  	[tilespmem:s22], [sflag:$0x1] =	stream.indirect_vreg.gather [hbm4b:s6+s2], $0x80, v4, vm0, $0xb8;
	[tilespmem:$0x10080] =	vst v63  }
0x8d: {  	_ = 	snop  }
0x8e: {  	[tilespmem:s23], [sflag:$0x1] =	stream.indirect_vreg.gather [hbm4b:s7+s2], $0x80, v4, vm0, $0xb8;
	[tilespmem:$0x10080] =	vst v63  }
0x8f: {  	_ = 	snop  }
0x90: {  	[tilespmem:s24], [sflag:$0x1] =	stream.indirect_vreg.gather [hbm4b:s3+s2], $0x80, v3, vm0, $0xb8;
	[tilespmem:$0x10080] =	vst v63  }
0x91: {  	_ = 	snop  }
0x92: {  	[tilespmem:s25], [sflag:$0x1] =	stream.indirect_vreg.gather [hbm4b:s5+s2], $0x80, v3, vm0, $0xb8;
	[tilespmem:$0x10080] =	vst v63  }
0x93: {  	_ = 	snop  }
0x94: {  	[tilespmem:s29], [sflag:$0x1] =	stream.indirect_vreg.gather [hbm4b:s6+s2], $0x80, v3, vm0, $0xb8;
	[tilespmem:$0x10080] =	vst v63  }
0x95: {  	_ = 	snop  }
0x96: {  	[tilespmem:s30], [sflag:$0x1] =	stream.indirect_vreg.gather [hbm4b:s7+s2], $0x80, v3, vm0, $0xb8;
	[tilespmem:$0x10080] =	vst v63  }
0x97: {  	v3 =	vld [tilespmem:$0x30];
	_ =	sdelay $0x4  }
0x98: {  	v61 =	vshll.u32 v3, $0x3  }
0x99: {  	v3 =	vand.u32 $0x7, v3;
	v4 =	vand.u32 $0xFFFFFFC0, v61  }
0x9a: {  	v3 =	vor.u32 v3, v4  }
0x9b: {  	v4 =	vperm.xlane v3, v0;
	_ =	sdelay $0x1  }
0x9c: {  	v4 =	vadd.s32 v1, v4;
	_ =	sdelay $0x4  }
0x9d: {  	[tilespmem:s31], [sflag:$0x1] =	stream.indirect_vreg.gather [hbm4b:s3+s2], $0x80, v4, vm0, $0xb8;
	[tilespmem:$0x10080] =	vst v63  }
0x9e: {  	s21 =	simm.s32 $0x4880;
	v3 =	vperm.xlane v3, v2  }
0x9f: {  	[tilespmem:s21], [sflag:$0x1] =	stream.indirect_vreg.gather [hbm4b:s5+s2], $0x80, v4, vm0, $0xb8;
	[tilespmem:$0x10080] =	vst v63  }
0xa0: {  	v3 =	vadd.s32 v1, v3  }
0xa1: {  	[tilespmem:s1], [sflag:$0x1] =	stream.indirect_vreg.gather [hbm4b:s6+s2], $0x80, v4, vm0, $0xb8;
	[tilespmem:$0x10080] =	vst v63  }
0xa2: {  	_ = 	snop  }
0xa3: {  	[tilespmem:s11], [sflag:$0x1] =	stream.indirect_vreg.gather [hbm4b:s7+s2], $0x80, v4, vm0, $0xb8;
	[tilespmem:$0x10080] =	vst v63  }
0xa4: {  	_ = 	snop  }
0xa5: {  	[tilespmem:s12], [sflag:$0x1] =	stream.indirect_vreg.gather [hbm4b:s3+s2], $0x80, v3, vm0, $0xb8;
	[tilespmem:$0x10080] =	vst v63  }
0xa6: {  	_ = 	snop  }
0xa7: {  	[tilespmem:s13], [sflag:$0x1] =	stream.indirect_vreg.gather [hbm4b:s5+s2], $0x80, v3, vm0, $0xb8;
	[tilespmem:$0x10080] =	vst v63  }
0xa8: {  	_ = 	snop  }
0xa9: {  	[tilespmem:s14], [sflag:$0x1] =	stream.indirect_vreg.gather [hbm4b:s6+s2], $0x80, v3, vm0, $0xb8;
	[tilespmem:$0x10080] =	vst v63  }
0xaa: {  	_ = 	snop  }
0xab: {  	[tilespmem:s4], [sflag:$0x1] =	stream.indirect_vreg.gather [hbm4b:s7+s2], $0x80, v3, vm0, $0xb8;
	[tilespmem:$0x10080] =	vst v63  }
0xac: {  	_ =	swait.ge [sflag:s26], $0x8000  }
0xad: {  	[sflag:s26] =	ssyncset.done $0x0  }
0xae: {  	[sflag:s26] =	ssyncadd.s32 $0xFFFF8000  }
0xaf: {  	v3 =	vld [tilespmem:$0x60];
	_ =	sdelay $0x4  }
0xb0: {  	v62 =	vshll.u32 v3, $0x3  }
0xb1: {  	v3 =	vand.u32 $0x7, v3;
	v4 =	vand.u32 $0xFFFFFFC0, v62  }
0xb2: {  	v3 =	vor.u32 v3, v4  }
0xb3: {  	v4 =	vperm.xlane v3, v0;
	_ =	sdelay $0x1  }
0xb4: {  	v4 =	vadd.s32 v1, v4;
	_ =	sdelay $0x4  }
0xb5: {  	[tilespmem:s0], [sflag:$0x1] =	stream.indirect_vreg.gather [hbm4b:s3+s2], $0x80, v4, vm0, $0xb8;
	[tilespmem:$0x10080] =	vst v63  }
0xb6: {  	v3 =	vperm.xlane v3, v2  }
0xb7: {  	[tilespmem:s15], [sflag:$0x1] =	stream.indirect_vreg.gather [hbm4b:s5+s2], $0x80, v4, vm0, $0xb8;
	[tilespmem:$0x10080] =	vst v63  }
0xb8: {  	v3 =	vadd.s32 v1, v3  }
0xb9: {  	[tilespmem:s16], [sflag:$0x1] =	stream.indirect_vreg.gather [hbm4b:s6+s2], $0x80, v4, vm0, $0xb8;
	[tilespmem:$0x10080] =	vst v63  }
0xba: {  	_ = 	snop  }
0xbb: {  	[tilespmem:s17], [sflag:$0x1] =	stream.indirect_vreg.gather [hbm4b:s7+s2], $0x80, v4, vm0, $0xb8;
	[tilespmem:$0x10080] =	vst v63  }
0xbc: {  	_ = 	snop  }
0xbd: {  	[tilespmem:s18], [sflag:$0x1] =	stream.indirect_vreg.gather [hbm4b:s3+s2], $0x80, v3, vm0, $0xb8;
	[tilespmem:$0x10080] =	vst v63  }
0xbe: {  	_ = 	snop  }
0xbf: {  	[tilespmem:s19], [sflag:$0x1] =	stream.indirect_vreg.gather [hbm4b:s5+s2], $0x80, v3, vm0, $0xb8;
	[tilespmem:$0x10080] =	vst v63  }
0xc0: {  	_ = 	snop  }
0xc1: {  	[tilespmem:s10], [sflag:$0x1] =	stream.indirect_vreg.gather [hbm4b:s6+s2], $0x80, v3, vm0, $0xb8;
	[tilespmem:$0x10080] =	vst v63  }
0xc2: {  	s21 =	simm.s32 $0xB880  }
0xc3: {  	[tilespmem:s21], [sflag:$0x1] =	stream.indirect_vreg.gather [hbm4b:s7+s2], $0x80, v3, vm0, $0xb8;
	[tilespmem:$0x10080] =	vst v63  }
0xc4: {  	v3 =	vld [tilespmem:$0x70];
	_ =	sdelay $0x4  }
0xc5: {  	v63 =	vshll.u32 v3, $0x3  }
0xc6: {  	v3 =	vand.u32 $0x7, v3;
	v4 =	vand.u32 $0xFFFFFFC0, v63  }
0xc7: {  	v3 =	vor.u32 v3, v4  }
0xc8: {  	v4 =	vperm.xlane v3, v0;
	_ =	sdelay $0x1  }
0xc9: {  	v4 =	vadd.s32 v1, v4;
	_ =	sdelay $0x3  }
0xca: {  	s20 =	simm.s32 $0xC080  }
0xcb: {  	[tilespmem:s20], [sflag:$0x1] =	stream.indirect_vreg.gather [hbm4b:s3+s2], $0x80, v4, vm0, $0xb8;
	[tilespmem:$0x10080] =	vst v63  }
0xcc: {  	s21 =	simm.s32 $0xC880;
	v3 =	vperm.xlane v3, v2  }
0xcd: {  	[tilespmem:s21], [sflag:$0x1] =	stream.indirect_vreg.gather [hbm4b:s5+s2], $0x80, v4, vm0, $0xb8;
	[tilespmem:$0x10080] =	vst v63  }
0xce: {  	v3 =	vadd.s32 v1, v3;
	s20 =	simm.s32 $0xD080  }
0xcf: {  	[tilespmem:s20], [sflag:$0x1] =	stream.indirect_vreg.gather [hbm4b:s6+s2], $0x80, v4, vm0, $0xb8;
	[tilespmem:$0x10080] =	vst v63  }
0xd0: {  	s21 =	simm.s32 $0xD880  }
0xd1: {  	[tilespmem:s21], [sflag:$0x1] =	stream.indirect_vreg.gather [hbm4b:s7+s2], $0x80, v4, vm0, $0xb8;
	[tilespmem:$0x10080] =	vst v63  }
0xd2: {  	s20 =	simm.s32 $0xE080  }
0xd3: {  	[tilespmem:s20], [sflag:$0x1] =	stream.indirect_vreg.gather [hbm4b:s3+s2], $0x80, v3, vm0, $0xb8;
	[tilespmem:$0x10080] =	vst v63  }
0xd4: {  	s21 =	simm.s32 $0xE880  }
0xd5: {  	[tilespmem:s21], [sflag:$0x1] =	stream.indirect_vreg.gather [hbm4b:s5+s2], $0x80, v3, vm0, $0xb8;
	[tilespmem:$0x10080] =	vst v63  }
0xd6: {  	s20 =	simm.s32 $0xF080  }
0xd7: {  	[tilespmem:s20], [sflag:$0x1] =	stream.indirect_vreg.gather [hbm4b:s6+s2], $0x80, v3, vm0, $0xb8;
	[tilespmem:$0x10080] =	vst v63  }
0xd8: {  	s21 =	simm.s32 $0xF880  }
0xd9: {  	[tilespmem:s21], [sflag:$0x1] =	stream.indirect_vreg.gather [hbm4b:s7+s2], $0x80, v3, vm0, $0xb8;
	[tilespmem:$0x10080] =	vst v63  }
0xda: {  	_ =	swait.ge [sflag:s26], $0x8000  }
0xdb: {  	[sflag:s26] =	ssyncset.done $0x0  }
0xdc: {  	s1 =	rddreg [dreg:$0x5];
	[sflag:s26] =	ssyncadd.s32 $0xFFFF8000  }
0xdd: {  	[hbm4b:s1+s2] =	stream.linear.scatter [tilespmem:s28], [sflag:$0x2], $0x8000, $0x38;
	[tilespmem:$0x10080] =	vst v63  }
0xde: {  	_ =	swait.ge [sflag:s9], $0x8000  }
0xdf: {  	p0 =	sne.s32 s8, $0x1;
	[sflag:s9] =	ssyncset.done $0x0  }
.Ltmp0:
0xe0: {  	s21 =	rddreg [dreg:$0x6];
	[sflag:s9] =	ssyncadd.s32 $0xFFFF8000;
	(pc) =	sbr.rel @p0 .LBB2_1-.Ltmp0, $4  }
0xe1: {  	[hbm4b:s21+s2] =	stream.linear.scatter [tilespmem:s0], [sflag:$0x2], $0x8000, $0x38;
	[tilespmem:$0x10080] =	vst v63  }
0xe2: {  	_ =	swait.ge [sflag:s9], $0x8000  }
0xe3: {  	[sflag:s9] =	ssyncset.done $0x0  }
0xe4: {  	s8 =	sadd.s32 $0xFFFFFFFF, s8;
	[sflag:s9] =	ssyncadd.s32 $0xFFFF8000  }
0xe5: {  	_ =	sfence.sel $0x180000  }
0xe6: {  	[bflag:$0x0] =	sbarrier.arrive $0xFFFF  }
0xe7: {  	_ =	strace $0x9000004A  }
0xe8: {  	s0 =	stileid.u32;
	[bflag:$0x2] =	sbarrier.arrive $0xFFFF  }
0xe9: {  	p0 =	sne.s32 s0, $0x0;
	s0 =	rddreg [dreg:$0x1]  }
0xea: {  	s0 =	sadd.s32 @!p0 $0x100000, s0  }
0xeb: {  	[sflag:s0] =	ssyncadd.tile.s32 @!p0 $0x1;
	_ =	shalt  }
.Lfunc_end2:
_tile_overlayer_lowered:
.L_overlay_start_2:
0xec: {  	(tag) =	ssettag $0x2  }
0xed: {  	s0 =	rddreg [dreg:$0x0];
	s2 =	stileid.u32  }
0xee: {  	s1 =	rddreg [dreg:$0x1];
	p0 =	sne.s32 s2, $0x0  }
0xef: {  	s3 =	rddreg [dreg:$0x2];
	[bflag:$0x3] =	sbarrier.arrive $0xFFFF;
	s2 =	simm.s32 @!p0 $0x1C02  }
0xf0: {  	[timem:s3], [sflag:s2] =	dma.local @!p0 [hbm:s0], s1  }
0xf1: {  	s0 =	simm.s32 @!p0 $0x2  }
0xf2: {  	_ =	swait.ge @!p0 [sflag:s0], s1  }
0xf3: {  	s1 =	ssub.s32 @!p0 $0x0, s1;
	[sflag:s0] =	ssyncset.done @!p0 $0x0  }
0xf4: {  	[sflag:s0] =	ssyncadd.s32 @!p0 s1  }
0xf5: {  	[bflag:$0x3] =	sbarrier.arrive $0xFFFF  }
0xf6: {  	_ =	shalt  }

// kernel: kernel.8.cloned.1.call-start
scs
__scs_entry_jumppad:
0x0: {  	(pc) =	sbr.rel $0x88, $3  }
0x1: {  	(tag) =	ssettag $0x0;
	lr =	simm.s32 $0x1  }
0x2: {  	[smem:$0x3F9C] =	sst lr;
	_ =	strace $0xD0000000  }
0x3: {  	_ = 	snop  }
0x4: {  	_ = 	snop  }
0x5: {  	_ = 	snop  }
0x6: {  	_ = 	snop  }
0x7: {  	_ = 	snop  }
__scs_overlays_trampoline_lowered:
0x8: {  	[smem:$0x3FAB] =	sst s0  }
0x9: {  	[smem:$0x3FAC] =	sst s1  }
0xa: {  	[smem:$0x3FAD] =	sst s2  }
0xb: {  	[smem:$0x3FAE] =	sst s3  }
0xc: {  	[smem:$0x3FAF] =	sst s4  }
0xd: {  	[smem:$0x3FB0] =	sst s5  }
0xe: {  	[smem:$0x3FB1] =	sst s6  }
0xf: {  	[smem:$0x3FB2] =	sst s7  }
0x10: {  	[smem:$0x3FB3] =	sst s8  }
0x11: {  	[smem:$0x3FB4] =	sst s9;
	s0 =	simm.s32 @!p0 $0x0  }
0x12: {  	s1 =	sld [smem:$0x3F9A];
	s0 =	simm.s32 @p0 $0x1  }
0x13: {  	[smem:$0x3FB5] =	sst s0;
	s0 =	simm.s32 @!p1 $0x0  }
0x14: {  	s2 =	sld [smem:$0x3F99];
	s0 =	simm.s32 @p1 $0x1  }
0x15: {  	[smem:$0x3FB6] =	sst s0;
	s0 =	simm.s32 @!p2 $0x0  }
0x16: {  	s3 =	sld [smem:$0x3FDB];
	s0 =	simm.s32 @p2 $0x1  }
0x17: {  	s4 =	simm.s32 $0x1BF5;
	[smem:$0x3FB8] =	sst s0  }
0x18: {  	s0 =	sld [smem:$0x3F9B];
	_ =	swait.ge [sflag:s4], $0x0  }
0x19: {  	s7 =	sld [smem:$0x3F9C]  }
0x1a: {  	s8 =	sadd.s32 $0xFFFFE003, lr  }
0x1b: {  	s9 =	sadd.s32 $0xFFFFFEF7, lr;
	s5 =	simm.s32 $0xFFFFFFFF;
	p2 =	slt.u32 s8, $0xFFFFF086  }
0x1c: {  	p1 =	slt.u32 s9, $0xF7A;
	s5 =	simm.s32 @!p2 $0x0  }
0x1d: {  	s5 =	simm.s32 @p1 $0x1;
	p0 =	seq.s32 s7, s2  }
0x1e: {  	s7 =	smul.u32 @!p0 $0xF7A, s2;
	p2 =	seq.s32 @!p0 s5, $0x0  }
0x1f: {  	s9 =	smul.u32 $0xF7A, s1;
	s8 =	simm.s32 @!p0 $0x1BF5;
	p2 =	por !p2, p0  }
0x20: {  	[sflag:s8] =	ssyncset.s32 @!p0 $0xFFFFF086;
	s6 =	sadd.s32 @!p0 s3, s7;
	s7 =	simm.s32 @!p0 $0x108  }
0x21: {  	s3 =	sadd.s32 s3, s9;
	s6 =	sadd.s32 @!p0 $0x88, s6;
	s7 =	simm.s32 @p2 $0x1082  }
0x22: {  	[simem:s7], [sflag:s8] =	dma.local @!p0 [hbm:s6], $0xF7A  }
0x23: {  	s9 =	sor.u32 $0xD0000000, s2;
	s6 =	simm.s32 $0x108;
	_ =	swait.ge @!p0 [sflag:s8], $0x0  }
0x24: {  	s3 =	sadd.s32 $0x88, s3;
	s6 =	simm.s32 @!p1 $0x1082;
	[sflag:s4] =	ssyncset.s32 $0xFFFFF086  }
0x25: {  	[simem:s6], [sflag:s4] =	dma.local [hbm:s3], $0xF7A  }
0x26: {  	[smem:$0x3F9C] =	sst s1;
	(tag) =	ssettag s2;
	_ =	strace s9  }
0x27: {  	s1 =	sld [smem:$0x3FAC]  }
0x28: {  	s2 =	sld [smem:$0x3FAD]  }
0x29: {  	s4 =	sld [smem:$0x3FAF]  }
0x2a: {  	p0 =	seq.s32 s5, $0x0;
	s5 =	sld [smem:$0x3FB0]  }
0x2b: {  	s6 =	sld [smem:$0x3FB1]  }
0x2c: {  	s7 =	sld [smem:$0x3FB2]  }
0x2d: {  	s3 =	simm.s32 $0x108;
	s8 =	sld [smem:$0x3FB3]  }
0x2e: {  	s3 =	simm.s32 @!p0 $0x1082;
	s9 =	sld [smem:$0x3FB4]  }
0x2f: {  	lr =	sadd.s32 s0, s3;
	s0 =	sld [smem:$0x3FAB]  }
0x30: {  	s3 =	sld [smem:$0x3FAE]  }
0x31: {  	[smem:$0x3FB7] =	sst s10  }
0x32: {  	s10 =	sld [smem:$0x3FB5];
	_ =	sdelay $0x3  }
0x33: {  	p0 =	seq.s32 s10, $0x1;
	s10 =	sld [smem:$0x3FB7];
	_ =	sdelay $0x3  }
0x34: {  	[smem:$0x3FB7] =	sst s10  }
0x35: {  	s10 =	sld [smem:$0x3FB6];
	_ =	sdelay $0x3  }
0x36: {  	p1 =	seq.s32 s10, $0x1;
	s10 =	sld [smem:$0x3FB7];
	_ =	sdelay $0x3  }
0x37: {  	[smem:$0x3FB7] =	sst s10  }
0x38: {  	s10 =	sld [smem:$0x3FB8]  }
0x39: {  	_ = 	snop;
	(pc) =	sbr.ind lr, $3  }
0x3a: {  	_ = 	snop  }
0x3b: {  	_ = 	snop  }
0x3c: {  	p2 =	seq.s32 s10, $0x1;
	s10 =	sld [smem:$0x3FB7]  }
0x3d: {  	_ =	shalt  }
0x3e: {  	_ =	shalt  }
0x3f: {  	_ =	shalt  }
0x40: {  	_ =	shalt  }
0x41: {  	_ =	shalt  }
0x42: {  	_ =	shalt  }
0x43: {  	_ =	shalt  }
0x44: {  	_ =	shalt  }
0x45: {  	_ =	shalt  }
0x46: {  	_ =	shalt  }
0x47: {  	_ =	shalt  }
0x48: {  	_ =	shalt  }
0x49: {  	_ =	shalt  }
0x4a: {  	_ =	shalt  }
0x4b: {  	_ =	shalt  }
0x4c: {  	_ =	shalt  }
0x4d: {  	_ =	shalt  }
0x4e: {  	_ =	shalt  }
0x4f: {  	_ =	shalt  }
0x50: {  	_ =	shalt  }
0x51: {  	_ =	shalt  }
0x52: {  	_ =	shalt  }
0x53: {  	_ =	shalt  }
0x54: {  	_ =	shalt  }
0x55: {  	_ =	shalt  }
0x56: {  	_ =	shalt  }
0x57: {  	_ =	shalt  }
0x58: {  	_ =	shalt  }
0x59: {  	_ =	shalt  }
0x5a: {  	_ =	shalt  }
0x5b: {  	_ =	shalt  }
0x5c: {  	_ =	shalt  }
0x5d: {  	_ =	shalt  }
0x5e: {  	_ =	shalt  }
0x5f: {  	_ =	shalt  }
0x60: {  	_ =	shalt  }
0x61: {  	_ =	shalt  }
0x62: {  	_ =	shalt  }
0x63: {  	_ =	shalt  }
0x64: {  	_ =	shalt  }
0x65: {  	_ =	shalt  }
0x66: {  	_ =	shalt  }
0x67: {  	_ =	shalt  }
0x68: {  	_ =	shalt  }
0x69: {  	_ =	shalt  }
0x6a: {  	_ =	shalt  }
0x6b: {  	_ =	shalt  }
0x6c: {  	_ =	shalt  }
0x6d: {  	_ =	shalt  }
0x6e: {  	_ =	shalt  }
0x6f: {  	_ =	shalt  }
0x70: {  	_ =	shalt  }
0x71: {  	_ =	shalt  }
0x72: {  	_ =	shalt  }
0x73: {  	_ =	shalt  }
0x74: {  	_ =	shalt  }
0x75: {  	_ =	shalt  }
0x76: {  	_ =	shalt  }
0x77: {  	_ =	shalt  }
0x78: {  	_ =	shalt  }
0x79: {  	_ =	shalt  }
0x7a: {  	_ =	shalt  }
0x7b: {  	_ =	shalt  }
0x7c: {  	_ =	shalt  }
0x7d: {  	_ =	shalt  }
0x7e: {  	_ =	shalt  }
0x7f: {  	_ =	shalt  }
0x80: {  	_ =	shalt  }
0x81: {  	_ =	shalt  }
0x82: {  	_ =	shalt  }
0x83: {  	_ =	shalt  }
0x84: {  	_ =	shalt  }
0x85: {  	_ =	shalt  }
0x86: {  	_ =	shalt  }
0x87: {  	_ =	shalt  }
.Lfunc_end0:
.L_simem_size_0:
called_computation_lowered:
.L_overlay_start_0:
0x88: {  	s2 =	sld [smem:$0x3FD9]  }
0x89: {  	s3 =	sld [smem:$0x3FFE];
	_ =	sdelay $0x1  }
0x8a: {  	s1 =	srdreg.scid  }
0x8b: {  	s0 =	sand.u32 $0x1, s1  }
0x8c: {  	s17 =	sshll.u32 s0, $0xA;
	s2 =	sadd.s32 s3, s2  }
0x8d: {  	s2 =	sadd.s32 s2, s17  }
0x8e: {  	[smem:$0x3FC3] =	sst s2  }
0x8f: {  	_ = 	snop  }
0x90: {  	s2 =	sld [smem:$0x3FC9];
	(tm) =	ssettm $0x1  }
0x91: {  	s18 =	sld [smem:$0x3FFB];
	_ =	sdelay $0x3  }
0x92: {  	_ =	strace s18  }
0x93: {  	s3 =	sld [smem:$0x3FFC];
	_ =	sdelay $0x3  }
0x94: {  	_ =	strace s3  }
0x95: {  	s3 =	sld [smem:$0x3FFD];
	_ =	sdelay $0x3  }
0x96: {  	_ =	strace s3  }
0x97: {  	_ =	strace $0x8FFFFFFF  }
0x98: {  	s19 =	sld [smem:$0x3FDB];
	_ =	sdelay $0x1  }
0x99: {  	s4 =	simm.s32 $_scs_section_size  }
0x9a: {  	s5 =	simm.s32 $_size__tile_overlayer_lowered;
	s6 =	simm.s32 $_tile_overlayer_lowered  }
0x9b: {  	s22 =	simm.s32 $0x1BFF;
	s21 =	sshll.u32 s6, $0x1;
	s3 =	sadd.s32 s4, s19  }
0x9c: {  	s7 =	simm.s32 $0x0;
	s20 =	sshll.u32 s5, $0x1;
	s5 =	sadd.s32 s21, s3  }
0x9d: {  	[timem:s7], [sflag:s22] =	dma.local [hbm:s5], s20  }
0x9e: {  	_ =	swait.ge [sflag:s22], s20  }
0x9f: {  	s4 =	ssub.s32 $0x0, s20;
	[sflag:s22] =	ssyncset.done $0x0  }
0xa0: {  	[sflag:s22] =	ssyncadd.s32 s4;
	_ =	sdelay $0x1  }
0xa1: {  	s23 =	simm.s32 $0x1B8B  }
0xa2: {  	_ =	swait.ge [sflag:s23], $0x1  }
0xa3: {  	[sflag:s23] =	ssyncset.done $0x0  }
0xa4: {  	s25 =	simm.s32 $0x1B8E;
	s24 =	sld [smem:$0x3FFE];
	[sflag:s23] =	ssyncadd.s32 $0xFFFFFFFF  }
0xa5: {  	s26 =	simm.s32 $execute0_lowered;
	[smem:$0x3FD2] =	sst s25  }
0xa6: {  	s5 =	sshll.u32 s26, $0x1;
	_ =	strace $0x80000046;
	[dreg:$0x1] =	wrdreg $0xFFFFFFFF  }
0xa7: {  	s28 =	simm.s32 $_size_execute0_lowered;
	s3 =	sadd.s32 s3, s5;
	[dreg:$0x0] =	wrdreg $0x0  }
0xa8: {  	s5 =	sshll.u32 s28, $0x1;
	[dreg:$0x2] =	wrdreg s3  }
0xa9: {  	[dreg:$0x3] =	wrdreg s5  }
0xaa: {  	[dreg:$0x4] =	wrdreg $0xC0  }
0xab: {  	_ =	task [dreg:s7], $0x5FFFF  }
0xac: {  	[dreg:$0x1] =	wrdreg $0xFFFFFFFF  }
0xad: {  	[dreg:$0x0] =	wrdreg $0x60  }
0xae: {  	[dreg:$0x2] =	wrdreg s2  }
0xaf: {  	[dreg:$0x3] =	wrdreg s24  }
0xb0: {  	[dreg:$0x4] =	wrdreg $0x104000  }
0xb1: {  	[dreg:$0x5] =	wrdreg $0x105800  }
0xb2: {  	[dreg:$0x6] =	wrdreg $0x9  }
0xb3: {  	_ =	task.clear_ibuf [dreg:s7], $0x7FFFF;
	_ =	strace $0x90000046  }
0xb4: {  	s29 =	simm.s32 $0x9;
	_ =	strace $0x80000048  }
0xb5: {  	_ =	swait.ge [sflag:s29], $0x1  }
0xb6: {  	[sflag:s29] =	ssyncadd.s32 $0xFFFFFFFF  }
0xb7: {  	_ =	strace $0x90000048  }
0xb8: {  	_ =	sfence  }
0xb9: {  	s30 =	sld [smem:$0x0];
	_ =	sdelay $0x2  }
0xba: {  	s31 =	sshll.u32 s1, $0xD;
	s1 =	sshrl.u32 s1, $0x2  }
0xbb: {  	s3 =	sand.u32 $0x4000, s31;
	s1 =	sadd.s32 s1, s30  }
0xbc: {  	s0 =	sor.u32 s3, s0;
	s1 =	sshll.u32 s1, $0x11  }
0xbd: {  	s0 =	sor.u32 s1, s0  }
0xbe: {  	s0 =	sadd.s32 $0x8F2B, s0  }
0xbf: {  	[sflag:s0] =	ssyncadd.remote.s32 $0x1  }
0xc0: {  	_ =	sfence.sel $0xFFFF  }
0xc1: {  	[dreg:$0x0] =	wrdreg $0xFFFFFFFF;
	(pc) =	sbr.abs _section_cstart, $3  }
0xc2: {  	[dreg:$0x1] =	wrdreg $0xFFFFFFFF  }
0xc3: {  	_ =	task.clear_ibuf [dreg:s7], $0x2FFFF;
	_ =	strace $0x9FFFFFFF  }
0xc4: {  	(tm) =	ssettm $0x7FFFFFFF  }
0xc5: {  	_ =	shalt  }
tec
execute0_lowered:
.L_overlay_start_1:
0x0: {  	(tag) =	ssettag $0x1  }
0x1: {  	s1 =	rddreg [dreg:$0x0]  }
0x2: {  	s0 =	rddreg [dreg:$0x1]  }
0x3: {  	s10 =	rddreg [dreg:$0x2]  }
0x4: {  	s11 =	rddreg [dreg:$0x3]  }
0x5: {  	s4 =	simm.s32 $0x0;
	s12 =	stileid.u32;
	s5 =	srdreg.scid  }
0x6: {  	s26 =	simm.s32 $0x180;
	s28 =	simm.s32 $0x280;
	s29 =	simm.s32 $0x300  }
0x7: {  	s30 =	simm.s32 $0x1C00;
	s31 =	simm.s32 $0x2400;
	s13 =	simm.s32 $0xA400  }
0x8: {  	s14 =	simm.s32 $0xAC00;
	[smem:$0x7FF] =	sst s4;
	s3 =	sadd.s32 $0xC00, s0  }
0x9: {  	s15 =	sadd.s32 $0x800, s0;
	_ =	strace $0x80000047;
	[dreg:$0x5] =	wrdreg s3  }
0xa: {  	s2 =	sshll.u32 s12, $0x5;
	s16 =	sadd.s32 $0x1000, s0;
	[dreg:$0x6] =	wrdreg s15  }
0xb: {  	s17 =	sand.u32 $0x1, s5;
	s18 =	sshll.u32 s12, $0x1;
	[dreg:$0x7] =	wrdreg s16  }
0xc: {  	p0 =	sne.s32 s12, $0x0;
	s12 =	simm.s32 $0x4C00;
	[dreg:$0x11] =	wrdreg s26  }
0xd: {  	s2 =	sadd.s32 s2, s0;
	s6 =	ssub.s32 $0x2, s17;
	[dreg:$0x12] =	wrdreg s28  }
0xe: {  	s3 =	sor.u32 s17, s18;
	s0 =	sadd.s32 $0x1400, s0;
	[dreg:$0x13] =	wrdreg s29  }
0xf: {  	s15 =	simm.s32 $0x5C00;
	s16 =	simm.s32 $0x6400;
	s17 =	simm.s32 $0x6C00  }
0x10: {  	s18 =	simm.s32 $0x7400;
	s19 =	sadd.s32 $0x600, s2;
	s7 =	smul.u32 $0x300, s3  }
0x11: {  	s20 =	sadd.s32 $0x400, s2;
	s8 =	sshrl.u32 s6, $0x1;
	s22 =	smul.u32 $0x30000, s3  }
0x12: {  	s2 =	sadd.s32 $0x200, s2;
	s24 =	smul.u32 $0x6000, s3;
	[dreg:$0x8] =	wrdreg s19  }
0x13: {  	p1 =	sne.s32 s3, $0x0;
	s3 =	simm.s32 $0x5400;
	[dreg:$0x9] =	wrdreg s20  }
0x14: {  	[dreg:$0xa] =	wrdreg s2;
	s9 =	ssub.s32 s6, s8;
	s6 =	sadd.s32 $0x100, s1  }
0x15: {  	s8 =	sadd.s32 $0x300, s1;
	s19 =	simm.s32 $0x7C00;
	s20 =	simm.s32 $0x8400  }
0x16: {  	s21 =	sshrl.u32 s7, $0x2;
	s25 =	sshrl.u32 s22, $0x3;
	s5 =	sadd.s32 s0, s24  }
0x17: {  	s7 =	sadd.s32 $0x200, s1;
	s9 =	smax.u32 s9, $0x1;
	s24 =	simm.s32 $0x1  }
0x18: {  	s23 =	sadd.s32 s21, s10;
	s0 =	sadd.s32 s0, s25;
	[dreg:$0xc] =	wrdreg s5  }
0x19: {  	s22 =	simm.s32 $0x9400;
	[dreg:$0xb] =	wrdreg s23;
	s2 =	sadd.s32 $0x2000, s0  }
0x1a: {  	s5 =	simm.s32 $0x3400;
	s0 =	sadd.s32 $0x4000, s0;
	[dreg:$0xd] =	wrdreg s2  }
0x1b: {  	v2 =	vlaneseq.u32;
	s21 =	simm.s32 $0x8C00;
	[dreg:$0xe] =	wrdreg s0;
	s0 =	sshrl.u32 @!p0 s10, $0x3  }
0x1c: {  	vm0 =	vmmov $0xffff;
	v1 =	vshrl.u32 v2, $0x3;
	s23 =	simm.s32 $0x9C00;
	[dreg:$0xf] =	wrdreg s0;
	s0 =	sshrl.u32 @!p0 s11, $0x3  }
0x1d: {  	v0 =	vand.u32 $0x7, v2;
	v2 =	vor.u32 $0x8, v2;
	v1 =	vmul.u32 $0x8, v1;
	s10 =	simm.s32 $0x2;
	s11 =	simm.s32 $0x4400;
	[dreg:$0x10] =	wrdreg s0  }
.LBB2_1:
0x1e: {  	s25 =	rddreg [dreg:$0x5]  }
0x1f: {  	s26 =	rddreg [dreg:$0xf];
	s28 =	simm.s32 @!p0 $0x1C02  }
0x20: {  	[spmem:s26], [sflag:s28] =	dma.local @!p0 [hbm:s25], $0x300  }
0x21: {  	s25 =	simm.s32 @!p0 $0x2  }
0x22: {  	_ =	swait.ge @!p0 [sflag:s25], $0x300  }
0x23: {  	s26 =	rddreg [dreg:$0x6];
	[sflag:s25] =	ssyncset.done @!p0 $0x0  }
0x24: {  	s29 =	rddreg [dreg:$0x10];
	[sflag:s25] =	ssyncadd.s32 @!p0 $0xFFFFFD00  }
0x25: {  	[spmem:s29], [sflag:s28] =	dma.local @!p0 [hbm:s26], $0x300  }
0x26: {  	_ =	swait.ge @!p0 [sflag:s25], $0x300  }
0x27: {  	[sflag:s25] =	ssyncset.done @!p0 $0x0  }
0x28: {  	s0 =	rddreg [dreg:$0x8];
	[sflag:s25] =	ssyncadd.s32 @!p0 $0xFFFFFD00  }
0x29: {  	[tilespmem:s4], [sflag:$0x2] =	stream.linear.gather [hbm4b:s0+s4], $0x100, $0x38;
	[tilespmem:$0x10700] =	vst v63  }
0x2a: {  	_ =	swait.ge [sflag:s10], $0x100  }
0x2b: {  	[sflag:s10] =	ssyncset.done $0x0  }
0x2c: {  	s26 =	simm.s32 $0x100;
	s2 =	rddreg [dreg:$0x9];
	[sflag:s10] =	ssyncadd.s32 $0xFFFFFF00  }
0x2d: {  	[tilespmem:s26], [sflag:$0x2] =	stream.linear.gather [hbm4b:s2+s4], $0x100, $0x38;
	[tilespmem:$0x10700] =	vst v63  }
0x2e: {  	_ =	swait.ge [sflag:s10], $0x100  }
0x2f: {  	[sflag:s10] =	ssyncset.done $0x0  }
0x30: {  	s2 =	simm.s32 $0x200;
	s0 =	rddreg [dreg:$0xa];
	[sflag:s10] =	ssyncadd.s32 $0xFFFFFF00  }
0x31: {  	[tilespmem:s2], [sflag:$0x2] =	stream.linear.gather [hbm4b:s0+s4], $0x100, $0x38;
	[tilespmem:$0x10700] =	vst v63  }
0x32: {  	_ =	swait.ge [sflag:s10], $0x100  }
0x33: {  	[sflag:s10] =	ssyncset.done $0x0  }
0x34: {  	[sflag:s10] =	ssyncadd.s32 $0xFFFFFF00  }
0x35: {  	[bflag:$0x0] =	sbarrier.arrive $0xFFFF  }
0x36: {  	s0 =	simm.s32 $0x80;
	s25 =	rddreg [dreg:$0x2]  }
0x37: {  	[spmem:s25] =	stream.indirect.scatter.add.s32 [tilespmem:s26], [sflag:$0x2], $0x1, s4, s0, $0xb8;
	[tilespmem:$0x10700] =	vst v63  }
0x38: {  	_ =	swait.ge [sflag:s10], $0x80  }
0x39: {  	[sflag:s10] =	ssyncset.done $0x0  }
0x3a: {  	[sflag:s10] =	ssyncadd.s32 $0xFFFFFF80  }
0x3b: {  	s28 =	rddreg [dreg:$0x3]  }
0x3c: {  	[spmem:s28] =	stream.indirect.scatter.add.f32 [tilespmem:s2], [sflag:$0x2], $0x1, s4, s0, $0xb8;
	[tilespmem:$0x10700] =	vst v63  }
0x3d: {  	_ =	swait.ge [sflag:s10], $0x80  }
0x3e: {  	[sflag:s10] =	ssyncset.done $0x0  }
0x3f: {  	s2 =	rddreg [dreg:$0x11];
	[sflag:s10] =	ssyncadd.s32 $0xFFFFFF80  }
0x40: {  	[spmem:s25] =	stream.indirect.scatter.add.s32 [tilespmem:s2], [sflag:$0x2], $0x1, s0, s0, $0xb8;
	[tilespmem:$0x10700] =	vst v63  }
0x41: {  	_ =	swait.ge [sflag:s10], $0x80  }
0x42: {  	[sflag:s10] =	ssyncset.done $0x0  }
0x43: {  	s29 =	rddreg [dreg:$0x12];
	[sflag:s10] =	ssyncadd.s32 $0xFFFFFF80  }
0x44: {  	[spmem:s28] =	stream.indirect.scatter.add.f32 [tilespmem:s29], [sflag:$0x2], $0x1, s0, s0, $0xb8;
	[tilespmem:$0x10700] =	vst v63  }
0x45: {  	_ =	swait.ge [sflag:s10], $0x80  }
0x46: {  	[sflag:s10] =	ssyncset.done $0x0  }
0x47: {  	[sflag:s10] =	ssyncadd.s32 $0xFFFFFF80  }
0x48: {  	[bflag:$0x0] =	sbarrier.arrive $0xFFFF  }
0x49: {  	s0 =	rddreg [dreg:$0xb]  }
0x4a: {  	s2 =	rddreg [dreg:$0x13]  }
0x4b: {  	[tilespmem:s2], [sflag:$0x2] =	stream.linear.gather [spmem:s0], $0xC0, $0x38;
	[tilespmem:$0x10700] =	vst v63  }
0x4c: {  	_ =	swait.ge [sflag:s10], $0xC0  }
0x4d: {  	[sflag:s10] =	ssyncset.done $0x0  }
0x4e: {  	[sflag:s10] =	ssyncadd.s32 $0xFFFFFF40  }
0x4f: {  	v3 =	vld [tilespmem:$0x300];
	_ =	sdelay $0x4  }
0x50: {  	v4 =	vshll.u32 v3, $0x3  }
0x51: {  	v3 =	vand.u32 $0x7, v3;
	v4 =	vand.u32 $0xFFFFFFC0, v4  }
0x52: {  	v3 =	vor.u32 v3, v4  }
0x53: {  	v4 =	vperm.xlane v3, v0;
	_ =	sdelay $0x1  }
0x54: {  	v4 =	vadd.s32 v1, v4;
	_ =	sdelay $0x3  }
0x55: {  	s0 =	simm.s32 $0x400  }
0x56: {  	[tilespmem:s0], [sflag:$0x1] =	stream.indirect_vreg.gather [hbm4b:s1+s4], $0x80, v4, vm0, $0xb8;
	[tilespmem:$0x10700] =	vst v63  }
0x57: {  	s26 =	simm.s32 $0xC00;
	v3 =	vperm.xlane v3, v2  }
0x58: {  	[tilespmem:s26], [sflag:$0x1] =	stream.indirect_vreg.gather [hbm4b:s6+s4], $0x80, v4, vm0, $0xb8;
	[tilespmem:$0x10700] =	vst v63  }
0x59: {  	s29 =	simm.s32 $0x1400;
	v3 =	vadd.s32 v1, v3  }
0x5a: {  	[tilespmem:s29], [sflag:$0x1] =	stream.indirect_vreg.gather [hbm4b:s7+s4], $0x80, v4, vm0, $0xb8;
	[tilespmem:$0x10700] =	vst v63  }
0x5b: {  	_ = 	snop  }
0x5c: {  	[tilespmem:s30], [sflag:$0x1] =	stream.indirect_vreg.gather [hbm4b:s8+s4], $0x80, v4, vm0, $0xb8;
	[tilespmem:$0x10700] =	vst v63  }
0x5d: {  	_ = 	snop  }
0x5e: {  	[tilespmem:s31], [sflag:$0x1] =	stream.indirect_vreg.gather [hbm4b:s1+s4], $0x80, v3, vm0, $0xb8;
	[tilespmem:$0x10700] =	vst v63  }
0x5f: {  	s28 =	simm.s32 $0x2C00  }
0x60: {  	[tilespmem:s28], [sflag:$0x1] =	stream.indirect_vreg.gather [hbm4b:s6+s4], $0x80, v3, vm0, $0xb8;
	[tilespmem:$0x10700] =	vst v63  }
0x61: {  	_ = 	snop  }
0x62: {  	[tilespmem:s5], [sflag:$0x1] =	stream.indirect_vreg.gather [hbm4b:s7+s4], $0x80, v3, vm0, $0xb8;
	[tilespmem:$0x10700] =	vst v63  }
0x63: {  	s2 =	simm.s32 $0x3C00  }
0x64: {  	[tilespmem:s2], [sflag:$0x1] =	stream.indirect_vreg.gather [hbm4b:s8+s4], $0x80, v3, vm0, $0xb8;
	[tilespmem:$0x10700] =	vst v63  }
0x65: {  	v3 =	vld [tilespmem:$0x310];
	_ =	sdelay $0x4  }
0x66: {  	v53 =	vshll.u32 v3, $0x3  }
0x67: {  	v3 =	vand.u32 $0x7, v3;
	v4 =	vand.u32 $0xFFFFFFC0, v53  }
0x68: {  	v3 =	vor.u32 v3, v4  }
0x69: {  	v4 =	vperm.xlane v3, v0;
	_ =	sdelay $0x1  }
0x6a: {  	v4 =	vadd.s32 v1, v4;
	_ =	sdelay $0x4  }
0x6b: {  	[tilespmem:s11], [sflag:$0x1] =	stream.indirect_vreg.gather [hbm4b:s1+s4], $0x80, v4, vm0, $0xb8;
	[tilespmem:$0x10700] =	vst v63  }
0x6c: {  	v3 =	vperm.xlane v3, v2  }
0x6d: {  	[tilespmem:s12], [sflag:$0x1] =	stream.indirect_vreg.gather [hbm4b:s6+s4], $0x80, v4, vm0, $0xb8;
	[tilespmem:$0x10700] =	vst v63  }
0x6e: {  	v3 =	vadd.s32 v1, v3  }
0x6f: {  	[tilespmem:s3], [sflag:$0x1] =	stream.indirect_vreg.gather [hbm4b:s7+s4], $0x80, v4, vm0, $0xb8;
	[tilespmem:$0x10700] =	vst v63  }
0x70: {  	_ = 	snop  }
0x71: {  	[tilespmem:s15], [sflag:$0x1] =	stream.indirect_vreg.gather [hbm4b:s8+s4], $0x80, v4, vm0, $0xb8;
	[tilespmem:$0x10700] =	vst v63  }
0x72: {  	_ = 	snop  }
0x73: {  	[tilespmem:s16], [sflag:$0x1] =	stream.indirect_vreg.gather [hbm4b:s1+s4], $0x80, v3, vm0, $0xb8;
	[tilespmem:$0x10700] =	vst v63  }
0x74: {  	_ = 	snop  }
0x75: {  	[tilespmem:s17], [sflag:$0x1] =	stream.indirect_vreg.gather [hbm4b:s6+s4], $0x80, v3, vm0, $0xb8;
	[tilespmem:$0x10700] =	vst v63  }
0x76: {  	_ = 	snop  }
0x77: {  	[tilespmem:s18], [sflag:$0x1] =	stream.indirect_vreg.gather [hbm4b:s7+s4], $0x80, v3, vm0, $0xb8;
	[tilespmem:$0x10700] =	vst v63  }
0x78: {  	_ = 	snop  }
0x79: {  	[tilespmem:s19], [sflag:$0x1] =	stream.indirect_vreg.gather [hbm4b:s8+s4], $0x80, v3, vm0, $0xb8;
	[tilespmem:$0x10700] =	vst v63  }
0x7a: {  	v3 =	vld [tilespmem:$0x320];
	_ =	sdelay $0x4  }
0x7b: {  	v54 =	vshll.u32 v3, $0x3  }
0x7c: {  	v3 =	vand.u32 $0x7, v3;
	v4 =	vand.u32 $0xFFFFFFC0, v54  }
0x7d: {  	v3 =	vor.u32 v3, v4  }
0x7e: {  	v4 =	vperm.xlane v3, v0;
	_ =	sdelay $0x1  }
0x7f: {  	v4 =	vadd.s32 v1, v4;
	_ =	sdelay $0x4  }
0x80: {  	[tilespmem:s20], [sflag:$0x1] =	stream.indirect_vreg.gather [hbm4b:s1+s4], $0x80, v4, vm0, $0xb8;
	[tilespmem:$0x10700] =	vst v63  }
0x81: {  	v3 =	vperm.xlane v3, v2  }
0x82: {  	[tilespmem:s21], [sflag:$0x1] =	stream.indirect_vreg.gather [hbm4b:s6+s4], $0x80, v4, vm0, $0xb8;
	[tilespmem:$0x10700] =	vst v63  }
0x83: {  	v3 =	vadd.s32 v1, v3  }
0x84: {  	[tilespmem:s22], [sflag:$0x1] =	stream.indirect_vreg.gather [hbm4b:s7+s4], $0x80, v4, vm0, $0xb8;
	[tilespmem:$0x10700] =	vst v63  }
0x85: {  	_ = 	snop  }
0x86: {  	[tilespmem:s23], [sflag:$0x1] =	stream.indirect_vreg.gather [hbm4b:s8+s4], $0x80, v4, vm0, $0xb8;
	[tilespmem:$0x10700] =	vst v63  }
0x87: {  	_ = 	snop  }
0x88: {  	[tilespmem:s13], [sflag:$0x1] =	stream.indirect_vreg.gather [hbm4b:s1+s4], $0x80, v3, vm0, $0xb8;
	[tilespmem:$0x10700] =	vst v63  }
0x89: {  	_ = 	snop  }
0x8a: {  	[tilespmem:s14], [sflag:$0x1] =	stream.indirect_vreg.gather [hbm4b:s6+s4], $0x80, v3, vm0, $0xb8;
	[tilespmem:$0x10700] =	vst v63  }
0x8b: {  	s25 =	simm.s32 $0xB400  }
0x8c: {  	[tilespmem:s25], [sflag:$0x1] =	stream.indirect_vreg.gather [hbm4b:s7+s4], $0x80, v3, vm0, $0xb8;
	[tilespmem:$0x10700] =	vst v63  }
0x8d: {  	s25 =	simm.s32 $0xBC00  }
0x8e: {  	[tilespmem:s25], [sflag:$0x1] =	stream.indirect_vreg.gather [hbm4b:s8+s4], $0x80, v3, vm0, $0xb8;
	[tilespmem:$0x10700] =	vst v63  }
0x8f: {  	v3 =	vld [tilespmem:$0x330];
	_ =	sdelay $0x4  }
0x90: {  	v55 =	vshll.u32 v3, $0x3  }
0x91: {  	v3 =	vand.u32 $0x7, v3;
	v4 =	vand.u32 $0xFFFFFFC0, v55  }
0x92: {  	v3 =	vor.u32 v3, v4  }
0x93: {  	v4 =	vperm.xlane v3, v0;
	_ =	sdelay $0x1  }
0x94: {  	v4 =	vadd.s32 v1, v4;
	_ =	sdelay $0x3  }
0x95: {  	s25 =	simm.s32 $0xC400  }
0x96: {  	[tilespmem:s25], [sflag:$0x1] =	stream.indirect_vreg.gather [hbm4b:s1+s4], $0x80, v4, vm0, $0xb8;
	[tilespmem:$0x10700] =	vst v63  }
0x97: {  	v3 =	vperm.xlane v3, v2;
	s25 =	simm.s32 $0xCC00  }
0x98: {  	[tilespmem:s25], [sflag:$0x1] =	stream.indirect_vreg.gather [hbm4b:s6+s4], $0x80, v4, vm0, $0xb8;
	[tilespmem:$0x10700] =	vst v63  }
0x99: {  	v3 =	vadd.s32 v1, v3;
	s25 =	simm.s32 $0xD400  }
0x9a: {  	[tilespmem:s25], [sflag:$0x1] =	stream.indirect_vreg.gather [hbm4b:s7+s4], $0x80, v4, vm0, $0xb8;
	[tilespmem:$0x10700] =	vst v63  }
0x9b: {  	s25 =	simm.s32 $0xDC00  }
0x9c: {  	[tilespmem:s25], [sflag:$0x1] =	stream.indirect_vreg.gather [hbm4b:s8+s4], $0x80, v4, vm0, $0xb8;
	[tilespmem:$0x10700] =	vst v63  }
0x9d: {  	s25 =	simm.s32 $0xE400  }
0x9e: {  	[tilespmem:s25], [sflag:$0x1] =	stream.indirect_vreg.gather [hbm4b:s1+s4], $0x80, v3, vm0, $0xb8;
	[tilespmem:$0x10700] =	vst v63  }
0x9f: {  	s25 =	simm.s32 $0xEC00  }
0xa0: {  	[tilespmem:s25], [sflag:$0x1] =	stream.indirect_vreg.gather [hbm4b:s6+s4], $0x80, v3, vm0, $0xb8;
	[tilespmem:$0x10700] =	vst v63  }
0xa1: {  	s25 =	simm.s32 $0xF400  }
0xa2: {  	[tilespmem:s25], [sflag:$0x1] =	stream.indirect_vreg.gather [hbm4b:s7+s4], $0x80, v3, vm0, $0xb8;
	[tilespmem:$0x10700] =	vst v63  }
0xa3: {  	s25 =	simm.s32 $0xFC00  }
0xa4: {  	[tilespmem:s25], [sflag:$0x1] =	stream.indirect_vreg.gather [hbm4b:s8+s4], $0x80, v3, vm0, $0xb8;
	[tilespmem:$0x10700] =	vst v63  }
0xa5: {  	_ =	swait.ge [sflag:s24], $0x10000  }
0xa6: {  	[sflag:s24] =	ssyncset.done $0x0  }
0xa7: {  	s25 =	rddreg [dreg:$0xc];
	[sflag:s24] =	ssyncadd.s32 $0xFFFF0000  }
0xa8: {  	[hbm4b:s25+s4] =	stream.linear.scatter [tilespmem:s0], [sflag:$0x2], $0x10000, $0x38;
	[tilespmem:$0x10700] =	vst v63  }
0xa9: {  	_ =	swait.ge [sflag:s10], $0x10000  }
0xaa: {  	[sflag:s10] =	ssyncset.done $0x0  }
0xab: {  	[sflag:s10] =	ssyncadd.s32 $0xFFFF0000  }
0xac: {  	v3 =	vld [tilespmem:$0x340];
	_ =	sdelay $0x4  }
0xad: {  	v56 =	vshll.u32 v3, $0x3  }
0xae: {  	v3 =	vand.u32 $0x7, v3;
	v4 =	vand.u32 $0xFFFFFFC0, v56  }
0xaf: {  	v3 =	vor.u32 v3, v4  }
0xb0: {  	v4 =	vperm.xlane v3, v0;
	_ =	sdelay $0x1  }
0xb1: {  	v4 =	vadd.s32 v1, v4;
	_ =	sdelay $0x4  }
0xb2: {  	[tilespmem:s0], [sflag:$0x1] =	stream.indirect_vreg.gather [hbm4b:s1+s4], $0x80, v4, vm0, $0xb8;
	[tilespmem:$0x10700] =	vst v63  }
0xb3: {  	v3 =	vperm.xlane v3, v2  }
0xb4: {  	[tilespmem:s26], [sflag:$0x1] =	stream.indirect_vreg.gather [hbm4b:s6+s4], $0x80, v4, vm0, $0xb8;
	[tilespmem:$0x10700] =	vst v63  }
0xb5: {  	v3 =	vadd.s32 v1, v3  }
0xb6: {  	[tilespmem:s29], [sflag:$0x1] =	stream.indirect_vreg.gather [hbm4b:s7+s4], $0x80, v4, vm0, $0xb8;
	[tilespmem:$0x10700] =	vst v63  }
0xb7: {  	_ = 	snop  }
0xb8: {  	[tilespmem:s30], [sflag:$0x1] =	stream.indirect_vreg.gather [hbm4b:s8+s4], $0x80, v4, vm0, $0xb8;
	[tilespmem:$0x10700] =	vst v63  }
0xb9: {  	_ = 	snop  }
0xba: {  	[tilespmem:s31], [sflag:$0x1] =	stream.indirect_vreg.gather [hbm4b:s1+s4], $0x80, v3, vm0, $0xb8;
	[tilespmem:$0x10700] =	vst v63  }
0xbb: {  	_ = 	snop  }
0xbc: {  	[tilespmem:s28], [sflag:$0x1] =	stream.indirect_vreg.gather [hbm4b:s6+s4], $0x80, v3, vm0, $0xb8;
	[tilespmem:$0x10700] =	vst v63  }
0xbd: {  	_ = 	snop  }
0xbe: {  	[tilespmem:s5], [sflag:$0x1] =	stream.indirect_vreg.gather [hbm4b:s7+s4], $0x80, v3, vm0, $0xb8;
	[tilespmem:$0x10700] =	vst v63  }
0xbf: {  	_ = 	snop  }
0xc0: {  	[tilespmem:s2], [sflag:$0x1] =	stream.indirect_vreg.gather [hbm4b:s8+s4], $0x80, v3, vm0, $0xb8;
	[tilespmem:$0x10700] =	vst v63  }
0xc1: {  	v3 =	vld [tilespmem:$0x350];
	_ =	sdelay $0x4  }
0xc2: {  	v57 =	vshll.u32 v3, $0x3  }
0xc3: {  	v3 =	vand.u32 $0x7, v3;
	v4 =	vand.u32 $0xFFFFFFC0, v57  }
0xc4: {  	v3 =	vor.u32 v3, v4  }
0xc5: {  	v4 =	vperm.xlane v3, v0;
	_ =	sdelay $0x1  }
0xc6: {  	v4 =	vadd.s32 v1, v4;
	_ =	sdelay $0x4  }
0xc7: {  	[tilespmem:s11], [sflag:$0x1] =	stream.indirect_vreg.gather [hbm4b:s1+s4], $0x80, v4, vm0, $0xb8;
	[tilespmem:$0x10700] =	vst v63  }
0xc8: {  	v3 =	vperm.xlane v3, v2  }
0xc9: {  	[tilespmem:s12], [sflag:$0x1] =	stream.indirect_vreg.gather [hbm4b:s6+s4], $0x80, v4, vm0, $0xb8;
	[tilespmem:$0x10700] =	vst v63  }
0xca: {  	v3 =	vadd.s32 v1, v3  }
0xcb: {  	[tilespmem:s3], [sflag:$0x1] =	stream.indirect_vreg.gather [hbm4b:s7+s4], $0x80, v4, vm0, $0xb8;
	[tilespmem:$0x10700] =	vst v63  }
0xcc: {  	_ = 	snop  }
0xcd: {  	[tilespmem:s15], [sflag:$0x1] =	stream.indirect_vreg.gather [hbm4b:s8+s4], $0x80, v4, vm0, $0xb8;
	[tilespmem:$0x10700] =	vst v63  }
0xce: {  	_ = 	snop  }
0xcf: {  	[tilespmem:s16], [sflag:$0x1] =	stream.indirect_vreg.gather [hbm4b:s1+s4], $0x80, v3, vm0, $0xb8;
	[tilespmem:$0x10700] =	vst v63  }
0xd0: {  	_ = 	snop  }
0xd1: {  	[tilespmem:s17], [sflag:$0x1] =	stream.indirect_vreg.gather [hbm4b:s6+s4], $0x80, v3, vm0, $0xb8;
	[tilespmem:$0x10700] =	vst v63  }
0xd2: {  	_ = 	snop  }
0xd3: {  	[tilespmem:s18], [sflag:$0x1] =	stream.indirect_vreg.gather [hbm4b:s7+s4], $0x80, v3, vm0, $0xb8;
	[tilespmem:$0x10700] =	vst v63  }
0xd4: {  	_ = 	snop  }
0xd5: {  	[tilespmem:s19], [sflag:$0x1] =	stream.indirect_vreg.gather [hbm4b:s8+s4], $0x80, v3, vm0, $0xb8;
	[tilespmem:$0x10700] =	vst v63  }
0xd6: {  	v3 =	vld [tilespmem:$0x360];
	_ =	sdelay $0x4  }
0xd7: {  	v58 =	vshll.u32 v3, $0x3  }
0xd8: {  	v3 =	vand.u32 $0x7, v3;
	v4 =	vand.u32 $0xFFFFFFC0, v58  }
0xd9: {  	v3 =	vor.u32 v3, v4  }
0xda: {  	v4 =	vperm.xlane v3, v0;
	_ =	sdelay $0x1  }
0xdb: {  	v4 =	vadd.s32 v1, v4;
	_ =	sdelay $0x4  }
0xdc: {  	[tilespmem:s20], [sflag:$0x1] =	stream.indirect_vreg.gather [hbm4b:s1+s4], $0x80, v4, vm0, $0xb8;
	[tilespmem:$0x10700] =	vst v63  }
0xdd: {  	v3 =	vperm.xlane v3, v2  }
0xde: {  	[tilespmem:s21], [sflag:$0x1] =	stream.indirect_vreg.gather [hbm4b:s6+s4], $0x80, v4, vm0, $0xb8;
	[tilespmem:$0x10700] =	vst v63  }
0xdf: {  	v3 =	vadd.s32 v1, v3  }
0xe0: {  	[tilespmem:s22], [sflag:$0x1] =	stream.indirect_vreg.gather [hbm4b:s7+s4], $0x80, v4, vm0, $0xb8;
	[tilespmem:$0x10700] =	vst v63  }
0xe1: {  	_ = 	snop  }
0xe2: {  	[tilespmem:s23], [sflag:$0x1] =	stream.indirect_vreg.gather [hbm4b:s8+s4], $0x80, v4, vm0, $0xb8;
	[tilespmem:$0x10700] =	vst v63  }
0xe3: {  	_ = 	snop  }
0xe4: {  	[tilespmem:s13], [sflag:$0x1] =	stream.indirect_vreg.gather [hbm4b:s1+s4], $0x80, v3, vm0, $0xb8;
	[tilespmem:$0x10700] =	vst v63  }
0xe5: {  	_ = 	snop  }
0xe6: {  	[tilespmem:s14], [sflag:$0x1] =	stream.indirect_vreg.gather [hbm4b:s6+s4], $0x80, v3, vm0, $0xb8;
	[tilespmem:$0x10700] =	vst v63  }
0xe7: {  	s25 =	simm.s32 $0xB400  }
0xe8: {  	[tilespmem:s25], [sflag:$0x1] =	stream.indirect_vreg.gather [hbm4b:s7+s4], $0x80, v3, vm0, $0xb8;
	[tilespmem:$0x10700] =	vst v63  }
0xe9: {  	s25 =	simm.s32 $0xBC00  }
0xea: {  	[tilespmem:s25], [sflag:$0x1] =	stream.indirect_vreg.gather [hbm4b:s8+s4], $0x80, v3, vm0, $0xb8;
	[tilespmem:$0x10700] =	vst v63  }
0xeb: {  	v3 =	vld [tilespmem:$0x370];
	_ =	sdelay $0x4  }
0xec: {  	v59 =	vshll.u32 v3, $0x3  }
0xed: {  	v3 =	vand.u32 $0x7, v3;
	v4 =	vand.u32 $0xFFFFFFC0, v59  }
0xee: {  	v3 =	vor.u32 v3, v4  }
0xef: {  	v4 =	vperm.xlane v3, v0;
	_ =	sdelay $0x1  }
0xf0: {  	v4 =	vadd.s32 v1, v4;
	_ =	sdelay $0x3  }
0xf1: {  	s25 =	simm.s32 $0xC400  }
0xf2: {  	[tilespmem:s25], [sflag:$0x1] =	stream.indirect_vreg.gather [hbm4b:s1+s4], $0x80, v4, vm0, $0xb8;
	[tilespmem:$0x10700] =	vst v63  }
0xf3: {  	v3 =	vperm.xlane v3, v2;
	s25 =	simm.s32 $0xCC00  }
0xf4: {  	[tilespmem:s25], [sflag:$0x1] =	stream.indirect_vreg.gather [hbm4b:s6+s4], $0x80, v4, vm0, $0xb8;
	[tilespmem:$0x10700] =	vst v63  }
0xf5: {  	v3 =	vadd.s32 v1, v3;
	s25 =	simm.s32 $0xD400  }
0xf6: {  	[tilespmem:s25], [sflag:$0x1] =	stream.indirect_vreg.gather [hbm4b:s7+s4], $0x80, v4, vm0, $0xb8;
	[tilespmem:$0x10700] =	vst v63  }
0xf7: {  	s25 =	simm.s32 $0xDC00  }
0xf8: {  	[tilespmem:s25], [sflag:$0x1] =	stream.indirect_vreg.gather [hbm4b:s8+s4], $0x80, v4, vm0, $0xb8;
	[tilespmem:$0x10700] =	vst v63  }
0xf9: {  	s25 =	simm.s32 $0xE400  }
0xfa: {  	[tilespmem:s25], [sflag:$0x1] =	stream.indirect_vreg.gather [hbm4b:s1+s4], $0x80, v3, vm0, $0xb8;
	[tilespmem:$0x10700] =	vst v63  }
0xfb: {  	s25 =	simm.s32 $0xEC00  }
0xfc: {  	[tilespmem:s25], [sflag:$0x1] =	stream.indirect_vreg.gather [hbm4b:s6+s4], $0x80, v3, vm0, $0xb8;
	[tilespmem:$0x10700] =	vst v63  }
0xfd: {  	s25 =	simm.s32 $0xF400  }
0xfe: {  	[tilespmem:s25], [sflag:$0x1] =	stream.indirect_vreg.gather [hbm4b:s7+s4], $0x80, v3, vm0, $0xb8;
	[tilespmem:$0x10700] =	vst v63  }
0xff: {  	s25 =	simm.s32 $0xFC00  }
0x100: {  	[tilespmem:s25], [sflag:$0x1] =	stream.indirect_vreg.gather [hbm4b:s8+s4], $0x80, v3, vm0, $0xb8;
	[tilespmem:$0x10700] =	vst v63  }
0x101: {  	_ =	swait.ge [sflag:s24], $0x10000  }
0x102: {  	[sflag:s24] =	ssyncset.done $0x0  }
0x103: {  	s25 =	rddreg [dreg:$0xd];
	[sflag:s24] =	ssyncadd.s32 $0xFFFF0000  }
0x104: {  	[hbm4b:s25+s4] =	stream.linear.scatter [tilespmem:s0], [sflag:$0x2], $0x10000, $0x38;
	[tilespmem:$0x10700] =	vst v63  }
0x105: {  	_ =	swait.ge [sflag:s10], $0x10000  }
0x106: {  	[sflag:s10] =	ssyncset.done $0x0  }
0x107: {  	[sflag:s10] =	ssyncadd.s32 $0xFFFF0000  }
0x108: {  	v3 =	vld [tilespmem:$0x380];
	_ =	sdelay $0x4  }
0x109: {  	v60 =	vshll.u32 v3, $0x3  }
0x10a: {  	v3 =	vand.u32 $0x7, v3;
	v4 =	vand.u32 $0xFFFFFFC0, v60  }
0x10b: {  	v3 =	vor.u32 v3, v4  }
0x10c: {  	v4 =	vperm.xlane v3, v0;
	_ =	sdelay $0x1  }
0x10d: {  	v4 =	vadd.s32 v1, v4;
	_ =	sdelay $0x4  }
0x10e: {  	[tilespmem:s0], [sflag:$0x1] =	stream.indirect_vreg.gather [hbm4b:s1+s4], $0x80, v4, vm0, $0xb8;
	[tilespmem:$0x10700] =	vst v63  }
0x10f: {  	v3 =	vperm.xlane v3, v2  }
0x110: {  	[tilespmem:s26], [sflag:$0x1] =	stream.indirect_vreg.gather [hbm4b:s6+s4], $0x80, v4, vm0, $0xb8;
	[tilespmem:$0x10700] =	vst v63  }
0x111: {  	v3 =	vadd.s32 v1, v3  }
0x112: {  	[tilespmem:s29], [sflag:$0x1] =	stream.indirect_vreg.gather [hbm4b:s7+s4], $0x80, v4, vm0, $0xb8;
	[tilespmem:$0x10700] =	vst v63  }
0x113: {  	_ = 	snop  }
0x114: {  	[tilespmem:s30], [sflag:$0x1] =	stream.indirect_vreg.gather [hbm4b:s8+s4], $0x80, v4, vm0, $0xb8;
	[tilespmem:$0x10700] =	vst v63  }
0x115: {  	_ = 	snop  }
0x116: {  	[tilespmem:s31], [sflag:$0x1] =	stream.indirect_vreg.gather [hbm4b:s1+s4], $0x80, v3, vm0, $0xb8;
	[tilespmem:$0x10700] =	vst v63  }
0x117: {  	_ = 	snop  }
0x118: {  	[tilespmem:s28], [sflag:$0x1] =	stream.indirect_vreg.gather [hbm4b:s6+s4], $0x80, v3, vm0, $0xb8;
	[tilespmem:$0x10700] =	vst v63  }
0x119: {  	_ = 	snop  }
0x11a: {  	[tilespmem:s5], [sflag:$0x1] =	stream.indirect_vreg.gather [hbm4b:s7+s4], $0x80, v3, vm0, $0xb8;
	[tilespmem:$0x10700] =	vst v63  }
0x11b: {  	_ = 	snop  }
0x11c: {  	[tilespmem:s2], [sflag:$0x1] =	stream.indirect_vreg.gather [hbm4b:s8+s4], $0x80, v3, vm0, $0xb8;
	[tilespmem:$0x10700] =	vst v63  }
0x11d: {  	v3 =	vld [tilespmem:$0x390];
	_ =	sdelay $0x4  }
0x11e: {  	v61 =	vshll.u32 v3, $0x3  }
0x11f: {  	v3 =	vand.u32 $0x7, v3;
	v4 =	vand.u32 $0xFFFFFFC0, v61  }
0x120: {  	v3 =	vor.u32 v3, v4  }
0x121: {  	v4 =	vperm.xlane v3, v0;
	_ =	sdelay $0x1  }
0x122: {  	v4 =	vadd.s32 v1, v4;
	_ =	sdelay $0x4  }
0x123: {  	[tilespmem:s11], [sflag:$0x1] =	stream.indirect_vreg.gather [hbm4b:s1+s4], $0x80, v4, vm0, $0xb8;
	[tilespmem:$0x10700] =	vst v63  }
0x124: {  	v3 =	vperm.xlane v3, v2  }
0x125: {  	[tilespmem:s12], [sflag:$0x1] =	stream.indirect_vreg.gather [hbm4b:s6+s4], $0x80, v4, vm0, $0xb8;
	[tilespmem:$0x10700] =	vst v63  }
0x126: {  	v3 =	vadd.s32 v1, v3  }
0x127: {  	[tilespmem:s3], [sflag:$0x1] =	stream.indirect_vreg.gather [hbm4b:s7+s4], $0x80, v4, vm0, $0xb8;
	[tilespmem:$0x10700] =	vst v63  }
0x128: {  	_ = 	snop  }
0x129: {  	[tilespmem:s15], [sflag:$0x1] =	stream.indirect_vreg.gather [hbm4b:s8+s4], $0x80, v4, vm0, $0xb8;
	[tilespmem:$0x10700] =	vst v63  }
0x12a: {  	_ = 	snop  }
0x12b: {  	[tilespmem:s16], [sflag:$0x1] =	stream.indirect_vreg.gather [hbm4b:s1+s4], $0x80, v3, vm0, $0xb8;
	[tilespmem:$0x10700] =	vst v63  }
0x12c: {  	_ = 	snop  }
0x12d: {  	[tilespmem:s17], [sflag:$0x1] =	stream.indirect_vreg.gather [hbm4b:s6+s4], $0x80, v3, vm0, $0xb8;
	[tilespmem:$0x10700] =	vst v63  }
0x12e: {  	_ = 	snop  }
0x12f: {  	[tilespmem:s18], [sflag:$0x1] =	stream.indirect_vreg.gather [hbm4b:s7+s4], $0x80, v3, vm0, $0xb8;
	[tilespmem:$0x10700] =	vst v63  }
0x130: {  	_ = 	snop  }
0x131: {  	[tilespmem:s19], [sflag:$0x1] =	stream.indirect_vreg.gather [hbm4b:s8+s4], $0x80, v3, vm0, $0xb8;
	[tilespmem:$0x10700] =	vst v63  }
0x132: {  	v3 =	vld [tilespmem:$0x3A0];
	_ =	sdelay $0x4  }
0x133: {  	v62 =	vshll.u32 v3, $0x3  }
0x134: {  	v3 =	vand.u32 $0x7, v3;
	v4 =	vand.u32 $0xFFFFFFC0, v62  }
0x135: {  	v3 =	vor.u32 v3, v4  }
0x136: {  	v4 =	vperm.xlane v3, v0;
	_ =	sdelay $0x1  }
0x137: {  	v4 =	vadd.s32 v1, v4;
	_ =	sdelay $0x4  }
0x138: {  	[tilespmem:s20], [sflag:$0x1] =	stream.indirect_vreg.gather [hbm4b:s1+s4], $0x80, v4, vm0, $0xb8;
	[tilespmem:$0x10700] =	vst v63  }
0x139: {  	v3 =	vperm.xlane v3, v2  }
0x13a: {  	[tilespmem:s21], [sflag:$0x1] =	stream.indirect_vreg.gather [hbm4b:s6+s4], $0x80, v4, vm0, $0xb8;
	[tilespmem:$0x10700] =	vst v63  }
0x13b: {  	v3 =	vadd.s32 v1, v3  }
0x13c: {  	[tilespmem:s22], [sflag:$0x1] =	stream.indirect_vreg.gather [hbm4b:s7+s4], $0x80, v4, vm0, $0xb8;
	[tilespmem:$0x10700] =	vst v63  }
0x13d: {  	_ = 	snop  }
0x13e: {  	[tilespmem:s23], [sflag:$0x1] =	stream.indirect_vreg.gather [hbm4b:s8+s4], $0x80, v4, vm0, $0xb8;
	[tilespmem:$0x10700] =	vst v63  }
0x13f: {  	_ = 	snop  }
0x140: {  	[tilespmem:s13], [sflag:$0x1] =	stream.indirect_vreg.gather [hbm4b:s1+s4], $0x80, v3, vm0, $0xb8;
	[tilespmem:$0x10700] =	vst v63  }
0x141: {  	_ = 	snop  }
0x142: {  	[tilespmem:s14], [sflag:$0x1] =	stream.indirect_vreg.gather [hbm4b:s6+s4], $0x80, v3, vm0, $0xb8;
	[tilespmem:$0x10700] =	vst v63  }
0x143: {  	s26 =	simm.s32 $0xB400  }
0x144: {  	[tilespmem:s26], [sflag:$0x1] =	stream.indirect_vreg.gather [hbm4b:s7+s4], $0x80, v3, vm0, $0xb8;
	[tilespmem:$0x10700] =	vst v63  }
0x145: {  	s28 =	simm.s32 $0xBC00  }
0x146: {  	[tilespmem:s28], [sflag:$0x1] =	stream.indirect_vreg.gather [hbm4b:s8+s4], $0x80, v3, vm0, $0xb8;
	[tilespmem:$0x10700] =	vst v63  }
0x147: {  	v3 =	vld [tilespmem:$0x3B0];
	_ =	sdelay $0x4  }
0x148: {  	v63 =	vshll.u32 v3, $0x3  }
0x149: {  	v3 =	vand.u32 $0x7, v3;
	v4 =	vand.u32 $0xFFFFFFC0, v63  }
0x14a: {  	v3 =	vor.u32 v3, v4  }
0x14b: {  	v4 =	vperm.xlane v3, v0;
	_ =	sdelay $0x1  }
0x14c: {  	v4 =	vadd.s32 v1, v4;
	_ =	sdelay $0x3  }
0x14d: {  	s29 =	simm.s32 $0xC400  }
0x14e: {  	[tilespmem:s29], [sflag:$0x1] =	stream.indirect_vreg.gather [hbm4b:s1+s4], $0x80, v4, vm0, $0xb8;
	[tilespmem:$0x10700] =	vst v63  }
0x14f: {  	s25 =	simm.s32 $0xCC00;
	v3 =	vperm.xlane v3, v2  }
0x150: {  	[tilespmem:s25], [sflag:$0x1] =	stream.indirect_vreg.gather [hbm4b:s6+s4], $0x80, v4, vm0, $0xb8;
	[tilespmem:$0x10700] =	vst v63  }
0x151: {  	s26 =	simm.s32 $0xD400;
	v3 =	vadd.s32 v1, v3  }
0x152: {  	[tilespmem:s26], [sflag:$0x1] =	stream.indirect_vreg.gather [hbm4b:s7+s4], $0x80, v4, vm0, $0xb8;
	[tilespmem:$0x10700] =	vst v63  }
0x153: {  	s28 =	simm.s32 $0xDC00  }
0x154: {  	[tilespmem:s28], [sflag:$0x1] =	stream.indirect_vreg.gather [hbm4b:s8+s4], $0x80, v4, vm0, $0xb8;
	[tilespmem:$0x10700] =	vst v63  }
0x155: {  	s29 =	simm.s32 $0xE400  }
0x156: {  	[tilespmem:s29], [sflag:$0x1] =	stream.indirect_vreg.gather [hbm4b:s1+s4], $0x80, v3, vm0, $0xb8;
	[tilespmem:$0x10700] =	vst v63  }
0x157: {  	s25 =	simm.s32 $0xEC00  }
0x158: {  	[tilespmem:s25], [sflag:$0x1] =	stream.indirect_vreg.gather [hbm4b:s6+s4], $0x80, v3, vm0, $0xb8;
	[tilespmem:$0x10700] =	vst v63  }
0x159: {  	s26 =	simm.s32 $0xF400  }
0x15a: {  	[tilespmem:s26], [sflag:$0x1] =	stream.indirect_vreg.gather [hbm4b:s7+s4], $0x80, v3, vm0, $0xb8;
	[tilespmem:$0x10700] =	vst v63  }
0x15b: {  	s28 =	simm.s32 $0xFC00  }
0x15c: {  	[tilespmem:s28], [sflag:$0x1] =	stream.indirect_vreg.gather [hbm4b:s8+s4], $0x80, v3, vm0, $0xb8;
	[tilespmem:$0x10700] =	vst v63  }
0x15d: {  	_ =	swait.ge [sflag:s24], $0x10000  }
0x15e: {  	[sflag:s24] =	ssyncset.done $0x0  }
0x15f: {  	s29 =	rddreg [dreg:$0xe];
	[sflag:s24] =	ssyncadd.s32 $0xFFFF0000  }
0x160: {  	[hbm4b:s29+s4] =	stream.linear.scatter [tilespmem:s0], [sflag:$0x2], $0x10000, $0x38;
	[tilespmem:$0x10700] =	vst v63  }
0x161: {  	_ =	swait.ge [sflag:s10], $0x10000  }
0x162: {  	[sflag:s10] =	ssyncset.done $0x0  }
0x163: {  	s9 =	sadd.s32 $0xFFFFFFFF, s9;
	s26 =	stileid.u32;
	[sflag:s10] =	ssyncadd.s32 $0xFFFF0000  }
0x164: {  	p2 =	sne.s32 s9, $0x0;
	s26 =	sshll.u32 @!p1 s26, $0x6;
	s0 =	rddreg [dreg:$0x3]  }
0x165: {  	s26 =	sor.u32 @!p1 $0x1C02, s26;
	s25 =	rddreg [dreg:$0x7];
	s28 =	sshrl.u32 @!p1 s0, $0x3  }
0x166: {  	[hbm:s25], [sflag:s26] =	dma.local @!p1 [spmem:s28], $0x300  }
.Ltmp0:
0x167: {  	_ = 	snop;
	(pc) =	sbr.rel @p2 .LBB2_1-.Ltmp0, $4  }
0x168: {  	s25 =	simm.s32 @!p1 $0x2  }
0x169: {  	_ =	swait.ge @!p1 [sflag:s25], $0x300  }
0x16a: {  	[sflag:s25] =	ssyncset.done @!p1 $0x0  }
0x16b: {  	[sflag:s25] =	ssyncadd.s32 @!p1 $0xFFFFFD00  }
0x16c: {  	_ =	sfence.sel $0x180000  }
0x16d: {  	[bflag:$0x0] =	sbarrier.arrive $0xFFFF  }
0x16e: {  	_ =	strace $0x90000047  }
0x16f: {  	[bflag:$0x2] =	sbarrier.arrive $0xFFFF  }
0x170: {  	s0 =	rddreg [dreg:$0x4]  }
0x171: {  	s0 =	sadd.s32 @!p0 $0x100000, s0  }
0x172: {  	[sflag:s0] =	ssyncadd.tile.s32 @!p0 $0x1;
	_ =	shalt  }
.Lfunc_end2:
_tile_overlayer_lowered:
.L_overlay_start_2:
0x173: {  	(tag) =	ssettag $0x2  }
0x174: {  	s0 =	rddreg [dreg:$0x0];
	s2 =	stileid.u32  }
0x175: {  	s1 =	rddreg [dreg:$0x1];
	p0 =	sne.s32 s2, $0x0  }
0x176: {  	s3 =	rddreg [dreg:$0x2];
	[bflag:$0x3] =	sbarrier.arrive $0xFFFF;
	s2 =	simm.s32 @!p0 $0x1C02  }
0x177: {  	[timem:s3], [sflag:s2] =	dma.local @!p0 [hbm:s0], s1  }
0x178: {  	s0 =	simm.s32 @!p0 $0x2  }
0x179: {  	_ =	swait.ge @!p0 [sflag:s0], s1  }
0x17a: {  	s1 =	ssub.s32 @!p0 $0x0, s1;
	[sflag:s0] =	ssyncset.done @!p0 $0x0  }
0x17b: {  	[sflag:s0] =	ssyncadd.s32 @!p0 s1  }
0x17c: {  	[bflag:$0x3] =	sbarrier.arrive $0xFFFF  }
0x17d: {  	_ =	shalt  }

</sc_bundles>
